<compile_context>
chip_gen: v7x
topology: tpu7x:2x2x1
jax: 0.10.2.dev20260603
libtpu: 0.0.44.dev20260713+nightly
codegen_flags: <defaults>
</compile_context>

<pallas_src>
import functools
import jax
import jax.numpy as jnp
from jax import lax
from jax.experimental import pallas as pl
from jax.experimental.pallas import tpu as pltpu
from jax.experimental.pallas import tpu_sc as plsc

EMB = 64
B = 4096 * 50
NC = 2
NS = 16
NW = NC * NS
BPW = B // NW
CH = 800
NCHUNK = BPW // CH
NBUF = 2

_mesh = plsc.VectorSubcoreMesh(core_axis_name="c", subcore_axis_name="s")


def _make_gather():
    @functools.partial(
        pl.kernel,
        mesh=_mesh,
        out_type=jax.ShapeDtypeStruct((B, EMB), jnp.float32),
        scratch_types=[
            pltpu.VMEM((BPW,), jnp.int32),
            pltpu.VMEM((NBUF, CH, EMB), jnp.float32),
            pltpu.SemaphoreType.DMA((NBUF,)),
        ],
        compiler_params=pltpu.CompilerParams(use_tc_tiling_on_sc=False),
    )
    def _g(table, idx, out, idx_v, rows_v, sems):
        wid = lax.axis_index("s") * NC + lax.axis_index("c")
        base = wid * BPW
        pltpu.sync_copy(idx.at[pl.ds(base, BPW)], idx_v)
        pending = []
        for j in range(NCHUNK):
            b = j % NBUF
            if len(pending) == NBUF:
                cd, p_j, p_b = pending.pop(0)
                cd.wait()
                pltpu.sync_copy(rows_v.at[p_b],
                                out.at[pl.ds(base + p_j * CH, CH)])
            cd = pltpu.async_copy(table.at[idx_v.at[pl.ds(j * CH, CH)]],
                                  rows_v.at[b], sems.at[b])
            pending.append((cd, j, b))
        for cd, p_j, p_b in pending:
            cd.wait()
            pltpu.sync_copy(rows_v.at[p_b],
                            out.at[pl.ds(base + p_j * CH, CH)])
    return _g


_gather_node = _make_gather()
_gather_edge = _make_gather()


def kernel(node_table, edge_table, node_inputs, edge_inputs):
    bshape = node_inputs.shape
    n_idx = node_inputs.reshape(-1).astype(jnp.int32)
    e_idx = edge_inputs.reshape(-1).astype(jnp.int32)
    node_out = _gather_node(node_table, n_idx)
    edge_out = _gather_edge(edge_table, e_idx)
    return (node_out.reshape(*bshape, EMB), edge_out.reshape(*bshape, EMB))

# --- scband reference (transcript-rebuilt; emitter-appended) ---
"""Pipeline reference for scband-semantic-label-encoder-25460566130735 (READ-ONLY COPY).

The authoritative reference and input builder live on the scoring server;
editing this copy changes nothing except your own understanding.
"""

import jax, jax.numpy as jnp
import numpy as np

EMB_DIM = 64
NUM_NODES = 1000000
NUM_EDGES = 100000


def _xavier_uniform(key, shape, gain=2.0):
    fan_in, fan_out = shape[0], shape[1]
    bound = gain * np.sqrt(6.0 / (fan_in + fan_out))
    return jax.random.uniform(key, shape, minval=-bound, maxval=bound, dtype=jnp.float32)


def setup_inputs(seed: int = 0) -> dict:
    key = jax.random.key(seed)
    k1, k2, k3, k4 = jax.random.split(key, 4)
    node_table = _xavier_uniform(k1, (NUM_NODES, EMB_DIM), gain=2.0)
    edge_table = _xavier_uniform(k2, (NUM_EDGES, EMB_DIM), gain=2.0)
    node_inputs = jax.random.randint(k3, (4096, 50), 0, NUM_NODES)
    edge_inputs = jax.random.randint(k4, (4096, 50), 0, NUM_EDGES)
    return {
        "node_table": node_table,
        "edge_table": edge_table,
        "node_inputs": node_inputs,
        "edge_inputs": edge_inputs,
    }


def reference(node_table, edge_table, node_inputs, edge_inputs):
    # SemanticLabelEncoder._get_inputs: embedding lookups on both tables
    node_embeddings = jnp.take(node_table, node_inputs, axis=0)
    edge_embeddings = jnp.take(edge_table, edge_inputs, axis=0)
    return (node_embeddings, edge_embeddings)

if __name__ == "__main__":
    import jax
    _d = setup_inputs()
    print(jax.jit(kernel)(*tuple(_d.values())))

</pallas_src>

<mosaic_0001>
#map = affine_map<(d0, d1) -> (0, 0)>
#map1 = affine_map<(d0, d1) -> (0)>
module attributes {stable_mosaic.version = 14 : i64} {
  func.func @_g(%arg0: i32, %arg1: i32, %arg2: memref<1000000x64xf32, #tpu.memory_space<hbm>>, %arg3: memref<204800xi32, #tpu.memory_space<hbm>>, %arg4: memref<204800x64xf32, #tpu.memory_space<hbm>>, %arg5: memref<6400xi32, #tpu.memory_space<vmem>>, %arg6: memref<2x800x64xf32, #tpu.memory_space<vmem>>, %arg7: memref<2x!tpu.dma_semaphore, #tpu.memory_space<semaphore_mem>>) attributes {dimension_semantics = [#tpu.dimension_semantics<core_parallel>, #tpu.dimension_semantics<subcore_parallel>], iteration_bounds = array<i64: 2, 16>, scalar_prefetch = 0 : i64, scratch_operands = 3 : i64, tpu.core_type = #tpu.core_type<sc_vector_subcore>, window_params = [{transform_indices = #map}, {transform_indices = #map1}, {transform_indices = #map}]} {
    %mul3A = arith.constant 2 : i32
    %mul3A_0 = arith.muli %arg1, %mul3A : i32
    %add3A = arith.addi %mul3A_0, %arg0 : i32
    %mul3A_1 = arith.constant 6400 : i32
    %mul3A_2 = arith.muli %add3A, %mul3A_1 : i32
    "tpu.region"() ({
      %run_scoped3A_232 = tpu.sem_alloc : memref<!tpu.dma_semaphore, #tpu.memory_space<semaphore_mem>>
      %dma_start3A_233 = tpu.memref_slice %arg3[%mul3A_2] : memref<204800xi32, #tpu.memory_space<hbm>> -> memref<6400xi32, #tpu.memory_space<hbm>>
      %dma_start3A_234 = tpu.memref_slice %arg3[%mul3A_2] : memref<204800xi32, #tpu.memory_space<hbm>> -> memref<6400xi32, #tpu.memory_space<hbm>>
      tpu.enqueue_dma source(%dma_start3A_234 : memref<6400xi32, #tpu.memory_space<hbm>>) target(%arg5 : memref<6400xi32, #tpu.memory_space<vmem>>) target_semaphore(%run_scoped3A_232 : memref<!tpu.dma_semaphore, #tpu.memory_space<semaphore_mem>>)
      %dma_wait3A_235 = tpu.memref_slice %arg3[%mul3A_2] : memref<204800xi32, #tpu.memory_space<hbm>> -> memref<6400xi32, #tpu.memory_space<hbm>>
      %dma_wait3A_236 = tpu.memref_slice %arg3[%mul3A_2] : memref<204800xi32, #tpu.memory_space<hbm>> -> memref<6400xi32, #tpu.memory_space<hbm>>
      tpu.wait_dma2 semaphore(%run_scoped3A_232 : memref<!tpu.dma_semaphore, #tpu.memory_space<semaphore_mem>>) src(%dma_wait3A_236 : memref<6400xi32, #tpu.memory_space<hbm>>) dst(%arg5 : memref<6400xi32, #tpu.memory_space<vmem>>)
      tpu.yield
    }) : () -> ()
    %dma_start3A = arith.constant 0 : i32
    %dma_start3A_3 = arith.constant 0 : i32
    %dma_start3A_4 = arith.constant 0 : i32
    %dma_start3A_5 = arith.constant 0 : i32
    %dma_start3A_6 = tpu.memref_slice %arg6[%dma_start3A, %dma_start3A_4, %dma_start3A_5] : memref<2x800x64xf32, #tpu.memory_space<vmem>> -> memref<1x800x64xf32, #tpu.memory_space<vmem>>
    %dma_start3A_7 = tpu.memref_squeeze %dma_start3A_6 : memref<1x800x64xf32, #tpu.memory_space<vmem>> -> memref<800x64xf32, #tpu.memory_space<vmem>>
    %dma_start3A_8 = arith.constant 0 : i32
    %dma_start3A_9 = tpu.memref_slice %arg5[%dma_start3A_8] : memref<6400xi32, #tpu.memory_space<vmem>> -> memref<800xi32, #tpu.memory_space<vmem>>
    %dma_start3A_10 = arith.constant 0 : i32
    %dma_start3A_11 = arith.constant 0 : i32
    %dma_start3A_12 = tpu.memref_slice %arg2[%dma_start3A_10, %dma_start3A_11] : memref<1000000x64xf32, #tpu.memory_space<hbm>> -> memref<1000000x64xf32, #tpu.memory_space<hbm>>
    %dma_start3A_13 = tpu.memref_slice %arg7[%dma_start3A_3] : memref<2x!tpu.dma_semaphore, #tpu.memory_space<semaphore_mem>> -> memref<1x!tpu.dma_semaphore, #tpu.memory_space<semaphore_mem>>
    %dma_start3A_14 = tpu.memref_squeeze %dma_start3A_13 : memref<1x!tpu.dma_semaphore, #tpu.memory_space<semaphore_mem>> -> memref<!tpu.dma_semaphore, #tpu.memory_space<semaphore_mem>>
    tpu.enqueue_indirect_dma source(%dma_start3A_12 : memref<1000000x64xf32, #tpu.memory_space<hbm>>) target(%dma_start3A_7 : memref<800x64xf32, #tpu.memory_space<vmem>>) offsets(%dma_start3A_9 : memref<800xi32, #tpu.memory_space<vmem>>) semaphore(%dma_start3A_14 : memref<!tpu.dma_semaphore, #tpu.memory_space<semaphore_mem>>)
    %dma_start3A_15 = arith.constant 1 : i32
    %dma_start3A_16 = arith.constant 1 : i32
    %dma_start3A_17 = arith.constant 0 : i32
    %dma_start3A_18 = arith.constant 0 : i32
    %dma_start3A_19 = tpu.memref_slice %arg6[%dma_start3A_15, %dma_start3A_17, %dma_start3A_18] : memref<2x800x64xf32, #tpu.memory_space<vmem>> -> memref<1x800x64xf32, #tpu.memory_space<vmem>>
    %dma_start3A_20 = tpu.memref_squeeze %dma_start3A_19 : memref<1x800x64xf32, #tpu.memory_space<vmem>> -> memref<800x64xf32, #tpu.memory_space<vmem>>
    %dma_start3A_21 = arith.constant 800 : i32
    %dma_start3A_22 = tpu.memref_slice %arg5[%dma_start3A_21] : memref<6400xi32, #tpu.memory_space<vmem>> -> memref<800xi32, #tpu.memory_space<vmem>>
    %dma_start3A_23 = arith.constant 0 : i32
    %dma_start3A_24 = arith.constant 0 : i32
    %dma_start3A_25 = tpu.memref_slice %arg2[%dma_start3A_23, %dma_start3A_24] : memref<1000000x64xf32, #tpu.memory_space<hbm>> -> memref<1000000x64xf32, #tpu.memory_space<hbm>>
    %dma_start3A_26 = tpu.memref_slice %arg7[%dma_start3A_16] : memref<2x!tpu.dma_semaphore, #tpu.memory_space<semaphore_mem>> -> memref<1x!tpu.dma_semaphore, #tpu.memory_space<semaphore_mem>>
    %dma_start3A_27 = tpu.memref_squeeze %dma_start3A_26 : memref<1x!tpu.dma_semaphore, #tpu.memory_space<semaphore_mem>> -> memref<!tpu.dma_semaphore, #tpu.memory_space<semaphore_mem>>
    tpu.enqueue_indirect_dma source(%dma_start3A_25 : memref<1000000x64xf32, #tpu.memory_space<hbm>>) target(%dma_start3A_20 : memref<800x64xf32, #tpu.memory_space<vmem>>) offsets(%dma_start3A_22 : memref<800xi32, #tpu.memory_space<vmem>>) semaphore(%dma_start3A_27 : memref<!tpu.dma_semaphore, #tpu.memory_space<semaphore_mem>>)
    %dma_wait3A = arith.constant 0 : i32
    %dma_wait3A_28 = arith.constant 0 : i32
    %dma_wait3A_29 = arith.constant 0 : i32
    %dma_wait3A_30 = arith.constant 0 : i32
    %dma_wait3A_31 = tpu.memref_slice %arg6[%dma_wait3A, %dma_wait3A_29, %dma_wait3A_30] : memref<2x800x64xf32, #tpu.memory_space<vmem>> -> memref<1x800x64xf32, #tpu.memory_space<vmem>>
    %dma_wait3A_32 = tpu.memref_squeeze %dma_wait3A_31 : memref<1x800x64xf32, #tpu.memory_space<vmem>> -> memref<800x64xf32, #tpu.memory_space<vmem>>
    %dma_wait3A_33 = arith.constant 0 : i32
    %dma_wait3A_34 = tpu.memref_slice %arg5[%dma_wait3A_33] : memref<6400xi32, #tpu.memory_space<vmem>> -> memref<800xi32, #tpu.memory_space<vmem>>
    %dma_wait3A_35 = arith.constant 0 : i32
    %dma_wait3A_36 = arith.constant 0 : i32
    %dma_wait3A_37 = tpu.memref_slice %arg2[%dma_wait3A_35, %dma_wait3A_36] : memref<1000000x64xf32, #tpu.memory_space<hbm>> -> memref<1000000x64xf32, #tpu.memory_space<hbm>>
    %dma_wait3A_38 = tpu.memref_slice %arg7[%dma_wait3A_28] : memref<2x!tpu.dma_semaphore, #tpu.memory_space<semaphore_mem>> -> memref<1x!tpu.dma_semaphore, #tpu.memory_space<semaphore_mem>>
    %dma_wait3A_39 = tpu.memref_squeeze %dma_wait3A_38 : memref<1x!tpu.dma_semaphore, #tpu.memory_space<semaphore_mem>> -> memref<!tpu.dma_semaphore, #tpu.memory_space<semaphore_mem>>
    tpu.wait_indirect_dma semaphore(%dma_wait3A_39 : memref<!tpu.dma_semaphore, #tpu.memory_space<semaphore_mem>>) src(%dma_wait3A_37 : memref<1000000x64xf32, #tpu.memory_space<hbm>>) dst(%dma_wait3A_32 : memref<800x64xf32, #tpu.memory_space<vmem>>)
    %add3A_40 = arith.constant 0 : i32
    %add3A_41 = arith.addi %mul3A_2, %add3A_40 : i32
    %run_scoped3A = arith.constant 0 : i32
    "tpu.region"() ({
      %run_scoped3A_232 = tpu.sem_alloc : memref<!tpu.dma_semaphore, #tpu.memory_space<semaphore_mem>>
      %dma_start3A_233 = arith.constant 0 : i32
      %dma_start3A_234 = arith.constant 0 : i32
      %dma_start3A_235 = tpu.memref_slice %arg6[%run_scoped3A, %dma_start3A_233, %dma_start3A_234] : memref<2x800x64xf32, #tpu.memory_space<vmem>> -> memref<1x800x64xf32, #tpu.memory_space<vmem>>
      %dma_start3A_236 = tpu.memref_squeeze %dma_start3A_235 : memref<1x800x64xf32, #tpu.memory_space<vmem>> -> memref<800x64xf32, #tpu.memory_space<vmem>>
      %dma_start3A_237 = arith.constant 0 : i32
      %dma_start3A_238 = tpu.memref_slice %arg4[%add3A_41, %dma_start3A_237] : memref<204800x64xf32, #tpu.memory_space<hbm>> -> memref<800x64xf32, #tpu.memory_space<hbm>>
      %dma_start3A_239 = arith.constant 0 : i32
      %dma_start3A_240 = tpu.memref_slice %arg4[%add3A_41, %dma_start3A_239] : memref<204800x64xf32, #tpu.memory_space<hbm>> -> memref<800x64xf32, #tpu.memory_space<hbm>>
      %dma_start3A_241 = arith.constant 0 : i32
      %dma_start3A_242 = arith.constant 0 : i32
      %dma_start3A_243 = tpu.memref_slice %arg6[%run_scoped3A, %dma_start3A_241, %dma_start3A_242] : memref<2x800x64xf32, #tpu.memory_space<vmem>> -> memref<1x800x64xf32, #tpu.memory_space<vmem>>
      %dma_start3A_244 = tpu.memref_squeeze %dma_start3A_243 : memref<1x800x64xf32, #tpu.memory_space<vmem>> -> memref<800x64xf32, #tpu.memory_space<vmem>>
      tpu.enqueue_dma source(%dma_start3A_244 : memref<800x64xf32, #tpu.memory_space<vmem>>) target(%dma_start3A_240 : memref<800x64xf32, #tpu.memory_space<hbm>>) target_semaphore(%run_scoped3A_232 : memref<!tpu.dma_semaphore, #tpu.memory_space<semaphore_mem>>)
      %dma_wait3A_245 = arith.constant 0 : i32
      %dma_wait3A_246 = arith.constant 0 : i32
      %dma_wait3A_247 = tpu.memref_slice %arg6[%run_scoped3A, %dma_wait3A_245, %dma_wait3A_246] : memref<2x800x64xf32, #tpu.memory_space<vmem>> -> memref<1x800x64xf32, #tpu.memory_space<vmem>>
      %dma_wait3A_248 = tpu.memref_squeeze %dma_wait3A_247 : memref<1x800x64xf32, #tpu.memory_space<vmem>> -> memref<800x64xf32, #tpu.memory_space<vmem>>
      %dma_wait3A_249 = arith.constant 0 : i32
      %dma_wait3A_250 = tpu.memref_slice %arg4[%add3A_41, %dma_wait3A_249] : memref<204800x64xf32, #tpu.memory_space<hbm>> -> memref<800x64xf32, #tpu.memory_space<hbm>>
      %dma_wait3A_251 = arith.constant 0 : i32
      %dma_wait3A_252 = tpu.memref_slice %arg4[%add3A_41, %dma_wait3A_251] : memref<204800x64xf32, #tpu.memory_space<hbm>> -> memref<800x64xf32, #tpu.memory_space<hbm>>
      %dma_wait3A_253 = arith.constant 0 : i32
      %dma_wait3A_254 = arith.constant 0 : i32
      %dma_wait3A_255 = tpu.memref_slice %arg6[%run_scoped3A, %dma_wait3A_253, %dma_wait3A_254] : memref<2x800x64xf32, #tpu.memory_space<vmem>> -> memref<1x800x64xf32, #tpu.memory_space<vmem>>
      %dma_wait3A_256 = tpu.memref_squeeze %dma_wait3A_255 : memref<1x800x64xf32, #tpu.memory_space<vmem>> -> memref<800x64xf32, #tpu.memory_space<vmem>>
      tpu.wait_dma2 semaphore(%run_scoped3A_232 : memref<!tpu.dma_semaphore, #tpu.memory_space<semaphore_mem>>) src(%dma_wait3A_256 : memref<800x64xf32, #tpu.memory_space<vmem>>) dst(%dma_wait3A_252 : memref<800x64xf32, #tpu.memory_space<hbm>>)
      tpu.yield
    }) : () -> ()
    %dma_start3A_42 = arith.constant 0 : i32
    %dma_start3A_43 = arith.constant 0 : i32
    %dma_start3A_44 = arith.constant 0 : i32
    %dma_start3A_45 = arith.constant 0 : i32
    %dma_start3A_46 = tpu.memref_slice %arg6[%dma_start3A_42, %dma_start3A_44, %dma_start3A_45] : memref<2x800x64xf32, #tpu.memory_space<vmem>> -> memref<1x800x64xf32, #tpu.memory_space<vmem>>
    %dma_start3A_47 = tpu.memref_squeeze %dma_start3A_46 : memref<1x800x64xf32, #tpu.memory_space<vmem>> -> memref<800x64xf32, #tpu.memory_space<vmem>>
    %dma_start3A_48 = arith.constant 1600 : i32
    %dma_start3A_49 = tpu.memref_slice %arg5[%dma_start3A_48] : memref<6400xi32, #tpu.memory_space<vmem>> -> memref<800xi32, #tpu.memory_space<vmem>>
    %dma_start3A_50 = arith.constant 0 : i32
    %dma_start3A_51 = arith.constant 0 : i32
    %dma_start3A_52 = tpu.memref_slice %arg2[%dma_start3A_50, %dma_start3A_51] : memref<1000000x64xf32, #tpu.memory_space<hbm>> -> memref<1000000x64xf32, #tpu.memory_space<hbm>>
    %dma_start3A_53 = tpu.memref_slice %arg7[%dma_start3A_43] : memref<2x!tpu.dma_semaphore, #tpu.memory_space<semaphore_mem>> -> memref<1x!tpu.dma_semaphore, #tpu.memory_space<semaphore_mem>>
    %dma_start3A_54 = tpu.memref_squeeze %dma_start3A_53 : memref<1x!tpu.dma_semaphore, #tpu.memory_space<semaphore_mem>> -> memref<!tpu.dma_semaphore, #tpu.memory_space<semaphore_mem>>
    tpu.enqueue_indirect_dma source(%dma_start3A_52 : memref<1000000x64xf32, #tpu.memory_space<hbm>>) target(%dma_start3A_47 : memref<800x64xf32, #tpu.memory_space<vmem>>) offsets(%dma_start3A_49 : memref<800xi32, #tpu.memory_space<vmem>>) semaphore(%dma_start3A_54 : memref<!tpu.dma_semaphore, #tpu.memory_space<semaphore_mem>>)
    %dma_wait3A_55 = arith.constant 1 : i32
    %dma_wait3A_56 = arith.constant 1 : i32
    %dma_wait3A_57 = arith.constant 0 : i32
    %dma_wait3A_58 = arith.constant 0 : i32
    %dma_wait3A_59 = tpu.memref_slice %arg6[%dma_wait3A_55, %dma_wait3A_57, %dma_wait3A_58] : memref<2x800x64xf32, #tpu.memory_space<vmem>> -> memref<1x800x64xf32, #tpu.memory_space<vmem>>
    %dma_wait3A_60 = tpu.memref_squeeze %dma_wait3A_59 : memref<1x800x64xf32, #tpu.memory_space<vmem>> -> memref<800x64xf32, #tpu.memory_space<vmem>>
    %dma_wait3A_61 = arith.constant 800 : i32
    %dma_wait3A_62 = tpu.memref_slice %arg5[%dma_wait3A_61] : memref<6400xi32, #tpu.memory_space<vmem>> -> memref<800xi32, #tpu.memory_space<vmem>>
    %dma_wait3A_63 = arith.constant 0 : i32
    %dma_wait3A_64 = arith.constant 0 : i32
    %dma_wait3A_65 = tpu.memref_slice %arg2[%dma_wait3A_63, %dma_wait3A_64] : memref<1000000x64xf32, #tpu.memory_space<hbm>> -> memref<1000000x64xf32, #tpu.memory_space<hbm>>
    %dma_wait3A_66 = tpu.memref_slice %arg7[%dma_wait3A_56] : memref<2x!tpu.dma_semaphore, #tpu.memory_space<semaphore_mem>> -> memref<1x!tpu.dma_semaphore, #tpu.memory_space<semaphore_mem>>
    %dma_wait3A_67 = tpu.memref_squeeze %dma_wait3A_66 : memref<1x!tpu.dma_semaphore, #tpu.memory_space<semaphore_mem>> -> memref<!tpu.dma_semaphore, #tpu.memory_space<semaphore_mem>>
    tpu.wait_indirect_dma semaphore(%dma_wait3A_67 : memref<!tpu.dma_semaphore, #tpu.memory_space<semaphore_mem>>) src(%dma_wait3A_65 : memref<1000000x64xf32, #tpu.memory_space<hbm>>) dst(%dma_wait3A_60 : memref<800x64xf32, #tpu.memory_space<vmem>>)
    %add3A_68 = arith.constant 800 : i32
    %add3A_69 = arith.addi %mul3A_2, %add3A_68 : i32
    %run_scoped3A_70 = arith.constant 1 : i32
    "tpu.region"() ({
      %run_scoped3A_232 = tpu.sem_alloc : memref<!tpu.dma_semaphore, #tpu.memory_space<semaphore_mem>>
      %dma_start3A_233 = arith.constant 0 : i32
      %dma_start3A_234 = arith.constant 0 : i32
      %dma_start3A_235 = tpu.memref_slice %arg6[%run_scoped3A_70, %dma_start3A_233, %dma_start3A_234] : memref<2x800x64xf32, #tpu.memory_space<vmem>> -> memref<1x800x64xf32, #tpu.memory_space<vmem>>
      %dma_start3A_236 = tpu.memref_squeeze %dma_start3A_235 : memref<1x800x64xf32, #tpu.memory_space<vmem>> -> memref<800x64xf32, #tpu.memory_space<vmem>>
      %dma_start3A_237 = arith.constant 0 : i32
      %dma_start3A_238 = tpu.memref_slice %arg4[%add3A_69, %dma_start3A_237] : memref<204800x64xf32, #tpu.memory_space<hbm>> -> memref<800x64xf32, #tpu.memory_space<hbm>>
      %dma_start3A_239 = arith.constant 0 : i32
      %dma_start3A_240 = tpu.memref_slice %arg4[%add3A_69, %dma_start3A_239] : memref<204800x64xf32, #tpu.memory_space<hbm>> -> memref<800x64xf32, #tpu.memory_space<hbm>>
      %dma_start3A_241 = arith.constant 0 : i32
      %dma_start3A_242 = arith.constant 0 : i32
      %dma_start3A_243 = tpu.memref_slice %arg6[%run_scoped3A_70, %dma_start3A_241, %dma_start3A_242] : memref<2x800x64xf32, #tpu.memory_space<vmem>> -> memref<1x800x64xf32, #tpu.memory_space<vmem>>
      %dma_start3A_244 = tpu.memref_squeeze %dma_start3A_243 : memref<1x800x64xf32, #tpu.memory_space<vmem>> -> memref<800x64xf32, #tpu.memory_space<vmem>>
      tpu.enqueue_dma source(%dma_start3A_244 : memref<800x64xf32, #tpu.memory_space<vmem>>) target(%dma_start3A_240 : memref<800x64xf32, #tpu.memory_space<hbm>>) target_semaphore(%run_scoped3A_232 : memref<!tpu.dma_semaphore, #tpu.memory_space<semaphore_mem>>)
      %dma_wait3A_245 = arith.constant 0 : i32
      %dma_wait3A_246 = arith.constant 0 : i32
      %dma_wait3A_247 = tpu.memref_slice %arg6[%run_scoped3A_70, %dma_wait3A_245, %dma_wait3A_246] : memref<2x800x64xf32, #tpu.memory_space<vmem>> -> memref<1x800x64xf32, #tpu.memory_space<vmem>>
      %dma_wait3A_248 = tpu.memref_squeeze %dma_wait3A_247 : memref<1x800x64xf32, #tpu.memory_space<vmem>> -> memref<800x64xf32, #tpu.memory_space<vmem>>
      %dma_wait3A_249 = arith.constant 0 : i32
      %dma_wait3A_250 = tpu.memref_slice %arg4[%add3A_69, %dma_wait3A_249] : memref<204800x64xf32, #tpu.memory_space<hbm>> -> memref<800x64xf32, #tpu.memory_space<hbm>>
      %dma_wait3A_251 = arith.constant 0 : i32
      %dma_wait3A_252 = tpu.memref_slice %arg4[%add3A_69, %dma_wait3A_251] : memref<204800x64xf32, #tpu.memory_space<hbm>> -> memref<800x64xf32, #tpu.memory_space<hbm>>
      %dma_wait3A_253 = arith.constant 0 : i32
      %dma_wait3A_254 = arith.constant 0 : i32
      %dma_wait3A_255 = tpu.memref_slice %arg6[%run_scoped3A_70, %dma_wait3A_253, %dma_wait3A_254] : memref<2x800x64xf32, #tpu.memory_space<vmem>> -> memref<1x800x64xf32, #tpu.memory_space<vmem>>
      %dma_wait3A_256 = tpu.memref_squeeze %dma_wait3A_255 : memref<1x800x64xf32, #tpu.memory_space<vmem>> -> memref<800x64xf32, #tpu.memory_space<vmem>>
      tpu.wait_dma2 semaphore(%run_scoped3A_232 : memref<!tpu.dma_semaphore, #tpu.memory_space<semaphore_mem>>) src(%dma_wait3A_256 : memref<800x64xf32, #tpu.memory_space<vmem>>) dst(%dma_wait3A_252 : memref<800x64xf32, #tpu.memory_space<hbm>>)
      tpu.yield
    }) : () -> ()
    %dma_start3A_71 = arith.constant 1 : i32
    %dma_start3A_72 = arith.constant 1 : i32
    %dma_start3A_73 = arith.constant 0 : i32
    %dma_start3A_74 = arith.constant 0 : i32
    %dma_start3A_75 = tpu.memref_slice %arg6[%dma_start3A_71, %dma_start3A_73, %dma_start3A_74] : memref<2x800x64xf32, #tpu.memory_space<vmem>> -> memref<1x800x64xf32, #tpu.memory_space<vmem>>
    %dma_start3A_76 = tpu.memref_squeeze %dma_start3A_75 : memref<1x800x64xf32, #tpu.memory_space<vmem>> -> memref<800x64xf32, #tpu.memory_space<vmem>>
    %dma_start3A_77 = arith.constant 2400 : i32
    %dma_start3A_78 = tpu.memref_slice %arg5[%dma_start3A_77] : memref<6400xi32, #tpu.memory_space<vmem>> -> memref<800xi32, #tpu.memory_space<vmem>>
    %dma_start3A_79 = arith.constant 0 : i32
    %dma_start3A_80 = arith.constant 0 : i32
    %dma_start3A_81 = tpu.memref_slice %arg2[%dma_start3A_79, %dma_start3A_80] : memref<1000000x64xf32, #tpu.memory_space<hbm>> -> memref<1000000x64xf32, #tpu.memory_space<hbm>>
    %dma_start3A_82 = tpu.memref_slice %arg7[%dma_start3A_72] : memref<2x!tpu.dma_semaphore, #tpu.memory_space<semaphore_mem>> -> memref<1x!tpu.dma_semaphore, #tpu.memory_space<semaphore_mem>>
    %dma_start3A_83 = tpu.memref_squeeze %dma_start3A_82 : memref<1x!tpu.dma_semaphore, #tpu.memory_space<semaphore_mem>> -> memref<!tpu.dma_semaphore, #tpu.memory_space<semaphore_mem>>
    tpu.enqueue_indirect_dma source(%dma_start3A_81 : memref<1000000x64xf32, #tpu.memory_space<hbm>>) target(%dma_start3A_76 : memref<800x64xf32, #tpu.memory_space<vmem>>) offsets(%dma_start3A_78 : memref<800xi32, #tpu.memory_space<vmem>>) semaphore(%dma_start3A_83 : memref<!tpu.dma_semaphore, #tpu.memory_space<semaphore_mem>>)
    %dma_wait3A_84 = arith.constant 0 : i32
    %dma_wait3A_85 = arith.constant 0 : i32
    %dma_wait3A_86 = arith.constant 0 : i32
    %dma_wait3A_87 = arith.constant 0 : i32
    %dma_wait3A_88 = tpu.memref_slice %arg6[%dma_wait3A_84, %dma_wait3A_86, %dma_wait3A_87] : memref<2x800x64xf32, #tpu.memory_space<vmem>> -> memref<1x800x64xf32, #tpu.memory_space<vmem>>
    %dma_wait3A_89 = tpu.memref_squeeze %dma_wait3A_88 : memref<1x800x64xf32, #tpu.memory_space<vmem>> -> memref<800x64xf32, #tpu.memory_space<vmem>>
    %dma_wait3A_90 = arith.constant 1600 : i32
    %dma_wait3A_91 = tpu.memref_slice %arg5[%dma_wait3A_90] : memref<6400xi32, #tpu.memory_space<vmem>> -> memref<800xi32, #tpu.memory_space<vmem>>
    %dma_wait3A_92 = arith.constant 0 : i32
    %dma_wait3A_93 = arith.constant 0 : i32
    %dma_wait3A_94 = tpu.memref_slice %arg2[%dma_wait3A_92, %dma_wait3A_93] : memref<1000000x64xf32, #tpu.memory_space<hbm>> -> memref<1000000x64xf32, #tpu.memory_space<hbm>>
    %dma_wait3A_95 = tpu.memref_slice %arg7[%dma_wait3A_85] : memref<2x!tpu.dma_semaphore, #tpu.memory_space<semaphore_mem>> -> memref<1x!tpu.dma_semaphore, #tpu.memory_space<semaphore_mem>>
    %dma_wait3A_96 = tpu.memref_squeeze %dma_wait3A_95 : memref<1x!tpu.dma_semaphore, #tpu.memory_space<semaphore_mem>> -> memref<!tpu.dma_semaphore, #tpu.memory_space<semaphore_mem>>
    tpu.wait_indirect_dma semaphore(%dma_wait3A_96 : memref<!tpu.dma_semaphore, #tpu.memory_space<semaphore_mem>>) src(%dma_wait3A_94 : memref<1000000x64xf32, #tpu.memory_space<hbm>>) dst(%dma_wait3A_89 : memref<800x64xf32, #tpu.memory_space<vmem>>)
    %add3A_97 = arith.constant 1600 : i32
    %add3A_98 = arith.addi %mul3A_2, %add3A_97 : i32
    %run_scoped3A_99 = arith.constant 0 : i32
    "tpu.region"() ({
      %run_scoped3A_232 = tpu.sem_alloc : memref<!tpu.dma_semaphore, #tpu.memory_space<semaphore_mem>>
      %dma_start3A_233 = arith.constant 0 : i32
      %dma_start3A_234 = arith.constant 0 : i32
      %dma_start3A_235 = tpu.memref_slice %arg6[%run_scoped3A_99, %dma_start3A_233, %dma_start3A_234] : memref<2x800x64xf32, #tpu.memory_space<vmem>> -> memref<1x800x64xf32, #tpu.memory_space<vmem>>
      %dma_start3A_236 = tpu.memref_squeeze %dma_start3A_235 : memref<1x800x64xf32, #tpu.memory_space<vmem>> -> memref<800x64xf32, #tpu.memory_space<vmem>>
      %dma_start3A_237 = arith.constant 0 : i32
      %dma_start3A_238 = tpu.memref_slice %arg4[%add3A_98, %dma_start3A_237] : memref<204800x64xf32, #tpu.memory_space<hbm>> -> memref<800x64xf32, #tpu.memory_space<hbm>>
      %dma_start3A_239 = arith.constant 0 : i32
      %dma_start3A_240 = tpu.memref_slice %arg4[%add3A_98, %dma_start3A_239] : memref<204800x64xf32, #tpu.memory_space<hbm>> -> memref<800x64xf32, #tpu.memory_space<hbm>>
      %dma_start3A_241 = arith.constant 0 : i32
      %dma_start3A_242 = arith.constant 0 : i32
      %dma_start3A_243 = tpu.memref_slice %arg6[%run_scoped3A_99, %dma_start3A_241, %dma_start3A_242] : memref<2x800x64xf32, #tpu.memory_space<vmem>> -> memref<1x800x64xf32, #tpu.memory_space<vmem>>
      %dma_start3A_244 = tpu.memref_squeeze %dma_start3A_243 : memref<1x800x64xf32, #tpu.memory_space<vmem>> -> memref<800x64xf32, #tpu.memory_space<vmem>>
      tpu.enqueue_dma source(%dma_start3A_244 : memref<800x64xf32, #tpu.memory_space<vmem>>) target(%dma_start3A_240 : memref<800x64xf32, #tpu.memory_space<hbm>>) target_semaphore(%run_scoped3A_232 : memref<!tpu.dma_semaphore, #tpu.memory_space<semaphore_mem>>)
      %dma_wait3A_245 = arith.constant 0 : i32
      %dma_wait3A_246 = arith.constant 0 : i32
      %dma_wait3A_247 = tpu.memref_slice %arg6[%run_scoped3A_99, %dma_wait3A_245, %dma_wait3A_246] : memref<2x800x64xf32, #tpu.memory_space<vmem>> -> memref<1x800x64xf32, #tpu.memory_space<vmem>>
      %dma_wait3A_248 = tpu.memref_squeeze %dma_wait3A_247 : memref<1x800x64xf32, #tpu.memory_space<vmem>> -> memref<800x64xf32, #tpu.memory_space<vmem>>
      %dma_wait3A_249 = arith.constant 0 : i32
      %dma_wait3A_250 = tpu.memref_slice %arg4[%add3A_98, %dma_wait3A_249] : memref<204800x64xf32, #tpu.memory_space<hbm>> -> memref<800x64xf32, #tpu.memory_space<hbm>>
      %dma_wait3A_251 = arith.constant 0 : i32
      %dma_wait3A_252 = tpu.memref_slice %arg4[%add3A_98, %dma_wait3A_251] : memref<204800x64xf32, #tpu.memory_space<hbm>> -> memref<800x64xf32, #tpu.memory_space<hbm>>
      %dma_wait3A_253 = arith.constant 0 : i32
      %dma_wait3A_254 = arith.constant 0 : i32
      %dma_wait3A_255 = tpu.memref_slice %arg6[%run_scoped3A_99, %dma_wait3A_253, %dma_wait3A_254] : memref<2x800x64xf32, #tpu.memory_space<vmem>> -> memref<1x800x64xf32, #tpu.memory_space<vmem>>
      %dma_wait3A_256 = tpu.memref_squeeze %dma_wait3A_255 : memref<1x800x64xf32, #tpu.memory_space<vmem>> -> memref<800x64xf32, #tpu.memory_space<vmem>>
      tpu.wait_dma2 semaphore(%run_scoped3A_232 : memref<!tpu.dma_semaphore, #tpu.memory_space<semaphore_mem>>) src(%dma_wait3A_256 : memref<800x64xf32, #tpu.memory_space<vmem>>) dst(%dma_wait3A_252 : memref<800x64xf32, #tpu.memory_space<hbm>>)
      tpu.yield
    }) : () -> ()
    %dma_start3A_100 = arith.constant 0 : i32
    %dma_start3A_101 = arith.constant 0 : i32
    %dma_start3A_102 = arith.constant 0 : i32
    %dma_start3A_103 = arith.constant 0 : i32
    %dma_start3A_104 = tpu.memref_slice %arg6[%dma_start3A_100, %dma_start3A_102, %dma_start3A_103] : memref<2x800x64xf32, #tpu.memory_space<vmem>> -> memref<1x800x64xf32, #tpu.memory_space<vmem>>
    %dma_start3A_105 = tpu.memref_squeeze %dma_start3A_104 : memref<1x800x64xf32, #tpu.memory_space<vmem>> -> memref<800x64xf32, #tpu.memory_space<vmem>>
    %dma_start3A_106 = arith.constant 3200 : i32
    %dma_start3A_107 = tpu.memref_slice %arg5[%dma_start3A_106] : memref<6400xi32, #tpu.memory_space<vmem>> -> memref<800xi32, #tpu.memory_space<vmem>>
    %dma_start3A_108 = arith.constant 0 : i32
    %dma_start3A_109 = arith.constant 0 : i32
    %dma_start3A_110 = tpu.memref_slice %arg2[%dma_start3A_108, %dma_start3A_109] : memref<1000000x64xf32, #tpu.memory_space<hbm>> -> memref<1000000x64xf32, #tpu.memory_space<hbm>>
    %dma_start3A_111 = tpu.memref_slice %arg7[%dma_start3A_101] : memref<2x!tpu.dma_semaphore, #tpu.memory_space<semaphore_mem>> -> memref<1x!tpu.dma_semaphore, #tpu.memory_space<semaphore_mem>>
    %dma_start3A_112 = tpu.memref_squeeze %dma_start3A_111 : memref<1x!tpu.dma_semaphore, #tpu.memory_space<semaphore_mem>> -> memref<!tpu.dma_semaphore, #tpu.memory_space<semaphore_mem>>
    tpu.enqueue_indirect_dma source(%dma_start3A_110 : memref<1000000x64xf32, #tpu.memory_space<hbm>>) target(%dma_start3A_105 : memref<800x64xf32, #tpu.memory_space<vmem>>) offsets(%dma_start3A_107 : memref<800xi32, #tpu.memory_space<vmem>>) semaphore(%dma_start3A_112 : memref<!tpu.dma_semaphore, #tpu.memory_space<semaphore_mem>>)
    %dma_wait3A_113 = arith.constant 1 : i32
    %dma_wait3A_114 = arith.constant 1 : i32
    %dma_wait3A_115 = arith.constant 0 : i32
    %dma_wait3A_116 = arith.constant 0 : i32
    %dma_wait3A_117 = tpu.memref_slice %arg6[%dma_wait3A_113, %dma_wait3A_115, %dma_wait3A_116] : memref<2x800x64xf32, #tpu.memory_space<vmem>> -> memref<1x800x64xf32, #tpu.memory_space<vmem>>
    %dma_wait3A_118 = tpu.memref_squeeze %dma_wait3A_117 : memref<1x800x64xf32, #tpu.memory_space<vmem>> -> memref<800x64xf32, #tpu.memory_space<vmem>>
    %dma_wait3A_119 = arith.constant 2400 : i32
    %dma_wait3A_120 = tpu.memref_slice %arg5[%dma_wait3A_119] : memref<6400xi32, #tpu.memory_space<vmem>> -> memref<800xi32, #tpu.memory_space<vmem>>
    %dma_wait3A_121 = arith.constant 0 : i32
    %dma_wait3A_122 = arith.constant 0 : i32
    %dma_wait3A_123 = tpu.memref_slice %arg2[%dma_wait3A_121, %dma_wait3A_122] : memref<1000000x64xf32, #tpu.memory_space<hbm>> -> memref<1000000x64xf32, #tpu.memory_space<hbm>>
    %dma_wait3A_124 = tpu.memref_slice %arg7[%dma_wait3A_114] : memref<2x!tpu.dma_semaphore, #tpu.memory_space<semaphore_mem>> -> memref<1x!tpu.dma_semaphore, #tpu.memory_space<semaphore_mem>>
    %dma_wait3A_125 = tpu.memref_squeeze %dma_wait3A_124 : memref<1x!tpu.dma_semaphore, #tpu.memory_space<semaphore_mem>> -> memref<!tpu.dma_semaphore, #tpu.memory_space<semaphore_mem>>
    tpu.wait_indirect_dma semaphore(%dma_wait3A_125 : memref<!tpu.dma_semaphore, #tpu.memory_space<semaphore_mem>>) src(%dma_wait3A_123 : memref<1000000x64xf32, #tpu.memory_space<hbm>>) dst(%dma_wait3A_118 : memref<800x64xf32, #tpu.memory_space<vmem>>)
    %add3A_126 = arith.constant 2400 : i32
    %add3A_127 = arith.addi %mul3A_2, %add3A_126 : i32
    %run_scoped3A_128 = arith.constant 1 : i32
    "tpu.region"() ({
      %run_scoped3A_232 = tpu.sem_alloc : memref<!tpu.dma_semaphore, #tpu.memory_space<semaphore_mem>>
      %dma_start3A_233 = arith.constant 0 : i32
      %dma_start3A_234 = arith.constant 0 : i32
      %dma_start3A_235 = tpu.memref_slice %arg6[%run_scoped3A_128, %dma_start3A_233, %dma_start3A_234] : memref<2x800x64xf32, #tpu.memory_space<vmem>> -> memref<1x800x64xf32, #tpu.memory_space<vmem>>
      %dma_start3A_236 = tpu.memref_squeeze %dma_start3A_235 : memref<1x800x64xf32, #tpu.memory_space<vmem>> -> memref<800x64xf32, #tpu.memory_space<vmem>>
      %dma_start3A_237 = arith.constant 0 : i32
      %dma_start3A_238 = tpu.memref_slice %arg4[%add3A_127, %dma_start3A_237] : memref<204800x64xf32, #tpu.memory_space<hbm>> -> memref<800x64xf32, #tpu.memory_space<hbm>>
      %dma_start3A_239 = arith.constant 0 : i32
      %dma_start3A_240 = tpu.memref_slice %arg4[%add3A_127, %dma_start3A_239] : memref<204800x64xf32, #tpu.memory_space<hbm>> -> memref<800x64xf32, #tpu.memory_space<hbm>>
      %dma_start3A_241 = arith.constant 0 : i32
      %dma_start3A_242 = arith.constant 0 : i32
      %dma_start3A_243 = tpu.memref_slice %arg6[%run_scoped3A_128, %dma_start3A_241, %dma_start3A_242] : memref<2x800x64xf32, #tpu.memory_space<vmem>> -> memref<1x800x64xf32, #tpu.memory_space<vmem>>
      %dma_start3A_244 = tpu.memref_squeeze %dma_start3A_243 : memref<1x800x64xf32, #tpu.memory_space<vmem>> -> memref<800x64xf32, #tpu.memory_space<vmem>>
      tpu.enqueue_dma source(%dma_start3A_244 : memref<800x64xf32, #tpu.memory_space<vmem>>) target(%dma_start3A_240 : memref<800x64xf32, #tpu.memory_space<hbm>>) target_semaphore(%run_scoped3A_232 : memref<!tpu.dma_semaphore, #tpu.memory_space<semaphore_mem>>)
      %dma_wait3A_245 = arith.constant 0 : i32
      %dma_wait3A_246 = arith.constant 0 : i32
      %dma_wait3A_247 = tpu.memref_slice %arg6[%run_scoped3A_128, %dma_wait3A_245, %dma_wait3A_246] : memref<2x800x64xf32, #tpu.memory_space<vmem>> -> memref<1x800x64xf32, #tpu.memory_space<vmem>>
      %dma_wait3A_248 = tpu.memref_squeeze %dma_wait3A_247 : memref<1x800x64xf32, #tpu.memory_space<vmem>> -> memref<800x64xf32, #tpu.memory_space<vmem>>
      %dma_wait3A_249 = arith.constant 0 : i32
      %dma_wait3A_250 = tpu.memref_slice %arg4[%add3A_127, %dma_wait3A_249] : memref<204800x64xf32, #tpu.memory_space<hbm>> -> memref<800x64xf32, #tpu.memory_space<hbm>>
      %dma_wait3A_251 = arith.constant 0 : i32
      %dma_wait3A_252 = tpu.memref_slice %arg4[%add3A_127, %dma_wait3A_251] : memref<204800x64xf32, #tpu.memory_space<hbm>> -> memref<800x64xf32, #tpu.memory_space<hbm>>
      %dma_wait3A_253 = arith.constant 0 : i32
      %dma_wait3A_254 = arith.constant 0 : i32
      %dma_wait3A_255 = tpu.memref_slice %arg6[%run_scoped3A_128, %dma_wait3A_253, %dma_wait3A_254] : memref<2x800x64xf32, #tpu.memory_space<vmem>> -> memref<1x800x64xf32, #tpu.memory_space<vmem>>
      %dma_wait3A_256 = tpu.memref_squeeze %dma_wait3A_255 : memref<1x800x64xf32, #tpu.memory_space<vmem>> -> memref<800x64xf32, #tpu.memory_space<vmem>>
      tpu.wait_dma2 semaphore(%run_scoped3A_232 : memref<!tpu.dma_semaphore, #tpu.memory_space<semaphore_mem>>) src(%dma_wait3A_256 : memref<800x64xf32, #tpu.memory_space<vmem>>) dst(%dma_wait3A_252 : memref<800x64xf32, #tpu.memory_space<hbm>>)
      tpu.yield
    }) : () -> ()
    %dma_start3A_129 = arith.constant 1 : i32
    %dma_start3A_130 = arith.constant 1 : i32
    %dma_start3A_131 = arith.constant 0 : i32
    %dma_start3A_132 = arith.constant 0 : i32
    %dma_start3A_133 = tpu.memref_slice %arg6[%dma_start3A_129, %dma_start3A_131, %dma_start3A_132] : memref<2x800x64xf32, #tpu.memory_space<vmem>> -> memref<1x800x64xf32, #tpu.memory_space<vmem>>
    %dma_start3A_134 = tpu.memref_squeeze %dma_start3A_133 : memref<1x800x64xf32, #tpu.memory_space<vmem>> -> memref<800x64xf32, #tpu.memory_space<vmem>>
    %dma_start3A_135 = arith.constant 4000 : i32
    %dma_start3A_136 = tpu.memref_slice %arg5[%dma_start3A_135] : memref<6400xi32, #tpu.memory_space<vmem>> -> memref<800xi32, #tpu.memory_space<vmem>>
    %dma_start3A_137 = arith.constant 0 : i32
    %dma_start3A_138 = arith.constant 0 : i32
    %dma_start3A_139 = tpu.memref_slice %arg2[%dma_start3A_137, %dma_start3A_138] : memref<1000000x64xf32, #tpu.memory_space<hbm>> -> memref<1000000x64xf32, #tpu.memory_space<hbm>>
    %dma_start3A_140 = tpu.memref_slice %arg7[%dma_start3A_130] : memref<2x!tpu.dma_semaphore, #tpu.memory_space<semaphore_mem>> -> memref<1x!tpu.dma_semaphore, #tpu.memory_space<semaphore_mem>>
    %dma_start3A_141 = tpu.memref_squeeze %dma_start3A_140 : memref<1x!tpu.dma_semaphore, #tpu.memory_space<semaphore_mem>> -> memref<!tpu.dma_semaphore, #tpu.memory_space<semaphore_mem>>
    tpu.enqueue_indirect_dma source(%dma_start3A_139 : memref<1000000x64xf32, #tpu.memory_space<hbm>>) target(%dma_start3A_134 : memref<800x64xf32, #tpu.memory_space<vmem>>) offsets(%dma_start3A_136 : memref<800xi32, #tpu.memory_space<vmem>>) semaphore(%dma_start3A_141 : memref<!tpu.dma_semaphore, #tpu.memory_space<semaphore_mem>>)
    %dma_wait3A_142 = arith.constant 0 : i32
    %dma_wait3A_143 = arith.constant 0 : i32
    %dma_wait3A_144 = arith.constant 0 : i32
    %dma_wait3A_145 = arith.constant 0 : i32
    %dma_wait3A_146 = tpu.memref_slice %arg6[%dma_wait3A_142, %dma_wait3A_144, %dma_wait3A_145] : memref<2x800x64xf32, #tpu.memory_space<vmem>> -> memref<1x800x64xf32, #tpu.memory_space<vmem>>
    %dma_wait3A_147 = tpu.memref_squeeze %dma_wait3A_146 : memref<1x800x64xf32, #tpu.memory_space<vmem>> -> memref<800x64xf32, #tpu.memory_space<vmem>>
    %dma_wait3A_148 = arith.constant 3200 : i32
    %dma_wait3A_149 = tpu.memref_slice %arg5[%dma_wait3A_148] : memref<6400xi32, #tpu.memory_space<vmem>> -> memref<800xi32, #tpu.memory_space<vmem>>
    %dma_wait3A_150 = arith.constant 0 : i32
    %dma_wait3A_151 = arith.constant 0 : i32
    %dma_wait3A_152 = tpu.memref_slice %arg2[%dma_wait3A_150, %dma_wait3A_151] : memref<1000000x64xf32, #tpu.memory_space<hbm>> -> memref<1000000x64xf32, #tpu.memory_space<hbm>>
    %dma_wait3A_153 = tpu.memref_slice %arg7[%dma_wait3A_143] : memref<2x!tpu.dma_semaphore, #tpu.memory_space<semaphore_mem>> -> memref<1x!tpu.dma_semaphore, #tpu.memory_space<semaphore_mem>>
    %dma_wait3A_154 = tpu.memref_squeeze %dma_wait3A_153 : memref<1x!tpu.dma_semaphore, #tpu.memory_space<semaphore_mem>> -> memref<!tpu.dma_semaphore, #tpu.memory_space<semaphore_mem>>
    tpu.wait_indirect_dma semaphore(%dma_wait3A_154 : memref<!tpu.dma_semaphore, #tpu.memory_space<semaphore_mem>>) src(%dma_wait3A_152 : memref<1000000x64xf32, #tpu.memory_space<hbm>>) dst(%dma_wait3A_147 : memref<800x64xf32, #tpu.memory_space<vmem>>)
    %add3A_155 = arith.constant 3200 : i32
    %add3A_156 = arith.addi %mul3A_2, %add3A_155 : i32
    %run_scoped3A_157 = arith.constant 0 : i32
    "tpu.region"() ({
      %run_scoped3A_232 = tpu.sem_alloc : memref<!tpu.dma_semaphore, #tpu.memory_space<semaphore_mem>>
      %dma_start3A_233 = arith.constant 0 : i32
      %dma_start3A_234 = arith.constant 0 : i32
      %dma_start3A_235 = tpu.memref_slice %arg6[%run_scoped3A_157, %dma_start3A_233, %dma_start3A_234] : memref<2x800x64xf32, #tpu.memory_space<vmem>> -> memref<1x800x64xf32, #tpu.memory_space<vmem>>
      %dma_start3A_236 = tpu.memref_squeeze %dma_start3A_235 : memref<1x800x64xf32, #tpu.memory_space<vmem>> -> memref<800x64xf32, #tpu.memory_space<vmem>>
      %dma_start3A_237 = arith.constant 0 : i32
      %dma_start3A_238 = tpu.memref_slice %arg4[%add3A_156, %dma_start3A_237] : memref<204800x64xf32, #tpu.memory_space<hbm>> -> memref<800x64xf32, #tpu.memory_space<hbm>>
      %dma_start3A_239 = arith.constant 0 : i32
      %dma_start3A_240 = tpu.memref_slice %arg4[%add3A_156, %dma_start3A_239] : memref<204800x64xf32, #tpu.memory_space<hbm>> -> memref<800x64xf32, #tpu.memory_space<hbm>>
      %dma_start3A_241 = arith.constant 0 : i32
      %dma_start3A_242 = arith.constant 0 : i32
      %dma_start3A_243 = tpu.memref_slice %arg6[%run_scoped3A_157, %dma_start3A_241, %dma_start3A_242] : memref<2x800x64xf32, #tpu.memory_space<vmem>> -> memref<1x800x64xf32, #tpu.memory_space<vmem>>
      %dma_start3A_244 = tpu.memref_squeeze %dma_start3A_243 : memref<1x800x64xf32, #tpu.memory_space<vmem>> -> memref<800x64xf32, #tpu.memory_space<vmem>>
      tpu.enqueue_dma source(%dma_start3A_244 : memref<800x64xf32, #tpu.memory_space<vmem>>) target(%dma_start3A_240 : memref<800x64xf32, #tpu.memory_space<hbm>>) target_semaphore(%run_scoped3A_232 : memref<!tpu.dma_semaphore, #tpu.memory_space<semaphore_mem>>)
      %dma_wait3A_245 = arith.constant 0 : i32
      %dma_wait3A_246 = arith.constant 0 : i32
      %dma_wait3A_247 = tpu.memref_slice %arg6[%run_scoped3A_157, %dma_wait3A_245, %dma_wait3A_246] : memref<2x800x64xf32, #tpu.memory_space<vmem>> -> memref<1x800x64xf32, #tpu.memory_space<vmem>>
      %dma_wait3A_248 = tpu.memref_squeeze %dma_wait3A_247 : memref<1x800x64xf32, #tpu.memory_space<vmem>> -> memref<800x64xf32, #tpu.memory_space<vmem>>
      %dma_wait3A_249 = arith.constant 0 : i32
      %dma_wait3A_250 = tpu.memref_slice %arg4[%add3A_156, %dma_wait3A_249] : memref<204800x64xf32, #tpu.memory_space<hbm>> -> memref<800x64xf32, #tpu.memory_space<hbm>>
      %dma_wait3A_251 = arith.constant 0 : i32
      %dma_wait3A_252 = tpu.memref_slice %arg4[%add3A_156, %dma_wait3A_251] : memref<204800x64xf32, #tpu.memory_space<hbm>> -> memref<800x64xf32, #tpu.memory_space<hbm>>
      %dma_wait3A_253 = arith.constant 0 : i32
      %dma_wait3A_254 = arith.constant 0 : i32
      %dma_wait3A_255 = tpu.memref_slice %arg6[%run_scoped3A_157, %dma_wait3A_253, %dma_wait3A_254] : memref<2x800x64xf32, #tpu.memory_space<vmem>> -> memref<1x800x64xf32, #tpu.memory_space<vmem>>
      %dma_wait3A_256 = tpu.memref_squeeze %dma_wait3A_255 : memref<1x800x64xf32, #tpu.memory_space<vmem>> -> memref<800x64xf32, #tpu.memory_space<vmem>>
      tpu.wait_dma2 semaphore(%run_scoped3A_232 : memref<!tpu.dma_semaphore, #tpu.memory_space<semaphore_mem>>) src(%dma_wait3A_256 : memref<800x64xf32, #tpu.memory_space<vmem>>) dst(%dma_wait3A_252 : memref<800x64xf32, #tpu.memory_space<hbm>>)
      tpu.yield
    }) : () -> ()
    %dma_start3A_158 = arith.constant 0 : i32
    %dma_start3A_159 = arith.constant 0 : i32
    %dma_start3A_160 = arith.constant 0 : i32
    %dma_start3A_161 = arith.constant 0 : i32
    %dma_start3A_162 = tpu.memref_slice %arg6[%dma_start3A_158, %dma_start3A_160, %dma_start3A_161] : memref<2x800x64xf32, #tpu.memory_space<vmem>> -> memref<1x800x64xf32, #tpu.memory_space<vmem>>
    %dma_start3A_163 = tpu.memref_squeeze %dma_start3A_162 : memref<1x800x64xf32, #tpu.memory_space<vmem>> -> memref<800x64xf32, #tpu.memory_space<vmem>>
    %dma_start3A_164 = arith.constant 4800 : i32
    %dma_start3A_165 = tpu.memref_slice %arg5[%dma_start3A_164] : memref<6400xi32, #tpu.memory_space<vmem>> -> memref<800xi32, #tpu.memory_space<vmem>>
    %dma_start3A_166 = arith.constant 0 : i32
    %dma_start3A_167 = arith.constant 0 : i32
    %dma_start3A_168 = tpu.memref_slice %arg2[%dma_start3A_166, %dma_start3A_167] : memref<1000000x64xf32, #tpu.memory_space<hbm>> -> memref<1000000x64xf32, #tpu.memory_space<hbm>>
    %dma_start3A_169 = tpu.memref_slice %arg7[%dma_start3A_159] : memref<2x!tpu.dma_semaphore, #tpu.memory_space<semaphore_mem>> -> memref<1x!tpu.dma_semaphore, #tpu.memory_space<semaphore_mem>>
    %dma_start3A_170 = tpu.memref_squeeze %dma_start3A_169 : memref<1x!tpu.dma_semaphore, #tpu.memory_space<semaphore_mem>> -> memref<!tpu.dma_semaphore, #tpu.memory_space<semaphore_mem>>
    tpu.enqueue_indirect_dma source(%dma_start3A_168 : memref<1000000x64xf32, #tpu.memory_space<hbm>>) target(%dma_start3A_163 : memref<800x64xf32, #tpu.memory_space<vmem>>) offsets(%dma_start3A_165 : memref<800xi32, #tpu.memory_space<vmem>>) semaphore(%dma_start3A_170 : memref<!tpu.dma_semaphore, #tpu.memory_space<semaphore_mem>>)
    %dma_wait3A_171 = arith.constant 1 : i32
    %dma_wait3A_172 = arith.constant 1 : i32
    %dma_wait3A_173 = arith.constant 0 : i32
    %dma_wait3A_174 = arith.constant 0 : i32
    %dma_wait3A_175 = tpu.memref_slice %arg6[%dma_wait3A_171, %dma_wait3A_173, %dma_wait3A_174] : memref<2x800x64xf32, #tpu.memory_space<vmem>> -> memref<1x800x64xf32, #tpu.memory_space<vmem>>
    %dma_wait3A_176 = tpu.memref_squeeze %dma_wait3A_175 : memref<1x800x64xf32, #tpu.memory_space<vmem>> -> memref<800x64xf32, #tpu.memory_space<vmem>>
    %dma_wait3A_177 = arith.constant 4000 : i32
    %dma_wait3A_178 = tpu.memref_slice %arg5[%dma_wait3A_177] : memref<6400xi32, #tpu.memory_space<vmem>> -> memref<800xi32, #tpu.memory_space<vmem>>
    %dma_wait3A_179 = arith.constant 0 : i32
    %dma_wait3A_180 = arith.constant 0 : i32
    %dma_wait3A_181 = tpu.memref_slice %arg2[%dma_wait3A_179, %dma_wait3A_180] : memref<1000000x64xf32, #tpu.memory_space<hbm>> -> memref<1000000x64xf32, #tpu.memory_space<hbm>>
    %dma_wait3A_182 = tpu.memref_slice %arg7[%dma_wait3A_172] : memref<2x!tpu.dma_semaphore, #tpu.memory_space<semaphore_mem>> -> memref<1x!tpu.dma_semaphore, #tpu.memory_space<semaphore_mem>>
    %dma_wait3A_183 = tpu.memref_squeeze %dma_wait3A_182 : memref<1x!tpu.dma_semaphore, #tpu.memory_space<semaphore_mem>> -> memref<!tpu.dma_semaphore, #tpu.memory_space<semaphore_mem>>
    tpu.wait_indirect_dma semaphore(%dma_wait3A_183 : memref<!tpu.dma_semaphore, #tpu.memory_space<semaphore_mem>>) src(%dma_wait3A_181 : memref<1000000x64xf32, #tpu.memory_space<hbm>>) dst(%dma_wait3A_176 : memref<800x64xf32, #tpu.memory_space<vmem>>)
    %add3A_184 = arith.constant 4000 : i32
    %add3A_185 = arith.addi %mul3A_2, %add3A_184 : i32
    %run_scoped3A_186 = arith.constant 1 : i32
    "tpu.region"() ({
      %run_scoped3A_232 = tpu.sem_alloc : memref<!tpu.dma_semaphore, #tpu.memory_space<semaphore_mem>>
      %dma_start3A_233 = arith.constant 0 : i32
      %dma_start3A_234 = arith.constant 0 : i32
      %dma_start3A_235 = tpu.memref_slice %arg6[%run_scoped3A_186, %dma_start3A_233, %dma_start3A_234] : memref<2x800x64xf32, #tpu.memory_space<vmem>> -> memref<1x800x64xf32, #tpu.memory_space<vmem>>
      %dma_start3A_236 = tpu.memref_squeeze %dma_start3A_235 : memref<1x800x64xf32, #tpu.memory_space<vmem>> -> memref<800x64xf32, #tpu.memory_space<vmem>>
      %dma_start3A_237 = arith.constant 0 : i32
      %dma_start3A_238 = tpu.memref_slice %arg4[%add3A_185, %dma_start3A_237] : memref<204800x64xf32, #tpu.memory_space<hbm>> -> memref<800x64xf32, #tpu.memory_space<hbm>>
      %dma_start3A_239 = arith.constant 0 : i32
      %dma_start3A_240 = tpu.memref_slice %arg4[%add3A_185, %dma_start3A_239] : memref<204800x64xf32, #tpu.memory_space<hbm>> -> memref<800x64xf32, #tpu.memory_space<hbm>>
      %dma_start3A_241 = arith.constant 0 : i32
      %dma_start3A_242 = arith.constant 0 : i32
      %dma_start3A_243 = tpu.memref_slice %arg6[%run_scoped3A_186, %dma_start3A_241, %dma_start3A_242] : memref<2x800x64xf32, #tpu.memory_space<vmem>> -> memref<1x800x64xf32, #tpu.memory_space<vmem>>
      %dma_start3A_244 = tpu.memref_squeeze %dma_start3A_243 : memref<1x800x64xf32, #tpu.memory_space<vmem>> -> memref<800x64xf32, #tpu.memory_space<vmem>>
      tpu.enqueue_dma source(%dma_start3A_244 : memref<800x64xf32, #tpu.memory_space<vmem>>) target(%dma_start3A_240 : memref<800x64xf32, #tpu.memory_space<hbm>>) target_semaphore(%run_scoped3A_232 : memref<!tpu.dma_semaphore, #tpu.memory_space<semaphore_mem>>)
      %dma_wait3A_245 = arith.constant 0 : i32
      %dma_wait3A_246 = arith.constant 0 : i32
      %dma_wait3A_247 = tpu.memref_slice %arg6[%run_scoped3A_186, %dma_wait3A_245, %dma_wait3A_246] : memref<2x800x64xf32, #tpu.memory_space<vmem>> -> memref<1x800x64xf32, #tpu.memory_space<vmem>>
      %dma_wait3A_248 = tpu.memref_squeeze %dma_wait3A_247 : memref<1x800x64xf32, #tpu.memory_space<vmem>> -> memref<800x64xf32, #tpu.memory_space<vmem>>
      %dma_wait3A_249 = arith.constant 0 : i32
      %dma_wait3A_250 = tpu.memref_slice %arg4[%add3A_185, %dma_wait3A_249] : memref<204800x64xf32, #tpu.memory_space<hbm>> -> memref<800x64xf32, #tpu.memory_space<hbm>>
      %dma_wait3A_251 = arith.constant 0 : i32
      %dma_wait3A_252 = tpu.memref_slice %arg4[%add3A_185, %dma_wait3A_251] : memref<204800x64xf32, #tpu.memory_space<hbm>> -> memref<800x64xf32, #tpu.memory_space<hbm>>
      %dma_wait3A_253 = arith.constant 0 : i32
      %dma_wait3A_254 = arith.constant 0 : i32
      %dma_wait3A_255 = tpu.memref_slice %arg6[%run_scoped3A_186, %dma_wait3A_253, %dma_wait3A_254] : memref<2x800x64xf32, #tpu.memory_space<vmem>> -> memref<1x800x64xf32, #tpu.memory_space<vmem>>
      %dma_wait3A_256 = tpu.memref_squeeze %dma_wait3A_255 : memref<1x800x64xf32, #tpu.memory_space<vmem>> -> memref<800x64xf32, #tpu.memory_space<vmem>>
      tpu.wait_dma2 semaphore(%run_scoped3A_232 : memref<!tpu.dma_semaphore, #tpu.memory_space<semaphore_mem>>) src(%dma_wait3A_256 : memref<800x64xf32, #tpu.memory_space<vmem>>) dst(%dma_wait3A_252 : memref<800x64xf32, #tpu.memory_space<hbm>>)
      tpu.yield
    }) : () -> ()
    %dma_start3A_187 = arith.constant 1 : i32
    %dma_start3A_188 = arith.constant 1 : i32
    %dma_start3A_189 = arith.constant 0 : i32
    %dma_start3A_190 = arith.constant 0 : i32
    %dma_start3A_191 = tpu.memref_slice %arg6[%dma_start3A_187, %dma_start3A_189, %dma_start3A_190] : memref<2x800x64xf32, #tpu.memory_space<vmem>> -> memref<1x800x64xf32, #tpu.memory_space<vmem>>
    %dma_start3A_192 = tpu.memref_squeeze %dma_start3A_191 : memref<1x800x64xf32, #tpu.memory_space<vmem>> -> memref<800x64xf32, #tpu.memory_space<vmem>>
    %dma_start3A_193 = arith.constant 5600 : i32
    %dma_start3A_194 = tpu.memref_slice %arg5[%dma_start3A_193] : memref<6400xi32, #tpu.memory_space<vmem>> -> memref<800xi32, #tpu.memory_space<vmem>>
    %dma_start3A_195 = arith.constant 0 : i32
    %dma_start3A_196 = arith.constant 0 : i32
    %dma_start3A_197 = tpu.memref_slice %arg2[%dma_start3A_195, %dma_start3A_196] : memref<1000000x64xf32, #tpu.memory_space<hbm>> -> memref<1000000x64xf32, #tpu.memory_space<hbm>>
    %dma_start3A_198 = tpu.memref_slice %arg7[%dma_start3A_188] : memref<2x!tpu.dma_semaphore, #tpu.memory_space<semaphore_mem>> -> memref<1x!tpu.dma_semaphore, #tpu.memory_space<semaphore_mem>>
    %dma_start3A_199 = tpu.memref_squeeze %dma_start3A_198 : memref<1x!tpu.dma_semaphore, #tpu.memory_space<semaphore_mem>> -> memref<!tpu.dma_semaphore, #tpu.memory_space<semaphore_mem>>
    tpu.enqueue_indirect_dma source(%dma_start3A_197 : memref<1000000x64xf32, #tpu.memory_space<hbm>>) target(%dma_start3A_192 : memref<800x64xf32, #tpu.memory_space<vmem>>) offsets(%dma_start3A_194 : memref<800xi32, #tpu.memory_space<vmem>>) semaphore(%dma_start3A_199 : memref<!tpu.dma_semaphore, #tpu.memory_space<semaphore_mem>>)
    %dma_wait3A_200 = arith.constant 0 : i32
    %dma_wait3A_201 = arith.constant 0 : i32
    %dma_wait3A_202 = arith.constant 0 : i32
    %dma_wait3A_203 = arith.constant 0 : i32
    %dma_wait3A_204 = tpu.memref_slice %arg6[%dma_wait3A_200, %dma_wait3A_202, %dma_wait3A_203] : memref<2x800x64xf32, #tpu.memory_space<vmem>> -> memref<1x800x64xf32, #tpu.memory_space<vmem>>
    %dma_wait3A_205 = tpu.memref_squeeze %dma_wait3A_204 : memref<1x800x64xf32, #tpu.memory_space<vmem>> -> memref<800x64xf32, #tpu.memory_space<vmem>>
    %dma_wait3A_206 = arith.constant 4800 : i32
    %dma_wait3A_207 = tpu.memref_slice %arg5[%dma_wait3A_206] : memref<6400xi32, #tpu.memory_space<vmem>> -> memref<800xi32, #tpu.memory_space<vmem>>
    %dma_wait3A_208 = arith.constant 0 : i32
    %dma_wait3A_209 = arith.constant 0 : i32
    %dma_wait3A_210 = tpu.memref_slice %arg2[%dma_wait3A_208, %dma_wait3A_209] : memref<1000000x64xf32, #tpu.memory_space<hbm>> -> memref<1000000x64xf32, #tpu.memory_space<hbm>>
    %dma_wait3A_211 = tpu.memref_slice %arg7[%dma_wait3A_201] : memref<2x!tpu.dma_semaphore, #tpu.memory_space<semaphore_mem>> -> memref<1x!tpu.dma_semaphore, #tpu.memory_space<semaphore_mem>>
    %dma_wait3A_212 = tpu.memref_squeeze %dma_wait3A_211 : memref<1x!tpu.dma_semaphore, #tpu.memory_space<semaphore_mem>> -> memref<!tpu.dma_semaphore, #tpu.memory_space<semaphore_mem>>
    tpu.wait_indirect_dma semaphore(%dma_wait3A_212 : memref<!tpu.dma_semaphore, #tpu.memory_space<semaphore_mem>>) src(%dma_wait3A_210 : memref<1000000x64xf32, #tpu.memory_space<hbm>>) dst(%dma_wait3A_205 : memref<800x64xf32, #tpu.memory_space<vmem>>)
    %add3A_213 = arith.constant 4800 : i32
    %add3A_214 = arith.addi %mul3A_2, %add3A_213 : i32
    %run_scoped3A_215 = arith.constant 0 : i32
    "tpu.region"() ({
      %run_scoped3A_232 = tpu.sem_alloc : memref<!tpu.dma_semaphore, #tpu.memory_space<semaphore_mem>>
      %dma_start3A_233 = arith.constant 0 : i32
      %dma_start3A_234 = arith.constant 0 : i32
      %dma_start3A_235 = tpu.memref_slice %arg6[%run_scoped3A_215, %dma_start3A_233, %dma_start3A_234] : memref<2x800x64xf32, #tpu.memory_space<vmem>> -> memref<1x800x64xf32, #tpu.memory_space<vmem>>
      %dma_start3A_236 = tpu.memref_squeeze %dma_start3A_235 : memref<1x800x64xf32, #tpu.memory_space<vmem>> -> memref<800x64xf32, #tpu.memory_space<vmem>>
      %dma_start3A_237 = arith.constant 0 : i32
      %dma_start3A_238 = tpu.memref_slice %arg4[%add3A_214, %dma_start3A_237] : memref<204800x64xf32, #tpu.memory_space<hbm>> -> memref<800x64xf32, #tpu.memory_space<hbm>>
      %dma_start3A_239 = arith.constant 0 : i32
      %dma_start3A_240 = tpu.memref_slice %arg4[%add3A_214, %dma_start3A_239] : memref<204800x64xf32, #tpu.memory_space<hbm>> -> memref<800x64xf32, #tpu.memory_space<hbm>>
      %dma_start3A_241 = arith.constant 0 : i32
      %dma_start3A_242 = arith.constant 0 : i32
      %dma_start3A_243 = tpu.memref_slice %arg6[%run_scoped3A_215, %dma_start3A_241, %dma_start3A_242] : memref<2x800x64xf32, #tpu.memory_space<vmem>> -> memref<1x800x64xf32, #tpu.memory_space<vmem>>
      %dma_start3A_244 = tpu.memref_squeeze %dma_start3A_243 : memref<1x800x64xf32, #tpu.memory_space<vmem>> -> memref<800x64xf32, #tpu.memory_space<vmem>>
      tpu.enqueue_dma source(%dma_start3A_244 : memref<800x64xf32, #tpu.memory_space<vmem>>) target(%dma_start3A_240 : memref<800x64xf32, #tpu.memory_space<hbm>>) target_semaphore(%run_scoped3A_232 : memref<!tpu.dma_semaphore, #tpu.memory_space<semaphore_mem>>)
      %dma_wait3A_245 = arith.constant 0 : i32
      %dma_wait3A_246 = arith.constant 0 : i32
      %dma_wait3A_247 = tpu.memref_slice %arg6[%run_scoped3A_215, %dma_wait3A_245, %dma_wait3A_246] : memref<2x800x64xf32, #tpu.memory_space<vmem>> -> memref<1x800x64xf32, #tpu.memory_space<vmem>>
      %dma_wait3A_248 = tpu.memref_squeeze %dma_wait3A_247 : memref<1x800x64xf32, #tpu.memory_space<vmem>> -> memref<800x64xf32, #tpu.memory_space<vmem>>
      %dma_wait3A_249 = arith.constant 0 : i32
      %dma_wait3A_250 = tpu.memref_slice %arg4[%add3A_214, %dma_wait3A_249] : memref<204800x64xf32, #tpu.memory_space<hbm>> -> memref<800x64xf32, #tpu.memory_space<hbm>>
      %dma_wait3A_251 = arith.constant 0 : i32
      %dma_wait3A_252 = tpu.memref_slice %arg4[%add3A_214, %dma_wait3A_251] : memref<204800x64xf32, #tpu.memory_space<hbm>> -> memref<800x64xf32, #tpu.memory_space<hbm>>
      %dma_wait3A_253 = arith.constant 0 : i32
      %dma_wait3A_254 = arith.constant 0 : i32
      %dma_wait3A_255 = tpu.memref_slice %arg6[%run_scoped3A_215, %dma_wait3A_253, %dma_wait3A_254] : memref<2x800x64xf32, #tpu.memory_space<vmem>> -> memref<1x800x64xf32, #tpu.memory_space<vmem>>
      %dma_wait3A_256 = tpu.memref_squeeze %dma_wait3A_255 : memref<1x800x64xf32, #tpu.memory_space<vmem>> -> memref<800x64xf32, #tpu.memory_space<vmem>>
      tpu.wait_dma2 semaphore(%run_scoped3A_232 : memref<!tpu.dma_semaphore, #tpu.memory_space<semaphore_mem>>) src(%dma_wait3A_256 : memref<800x64xf32, #tpu.memory_space<vmem>>) dst(%dma_wait3A_252 : memref<800x64xf32, #tpu.memory_space<hbm>>)
      tpu.yield
    }) : () -> ()
    %dma_wait3A_216 = arith.constant 1 : i32
    %dma_wait3A_217 = arith.constant 1 : i32
    %dma_wait3A_218 = arith.constant 0 : i32
    %dma_wait3A_219 = arith.constant 0 : i32
    %dma_wait3A_220 = tpu.memref_slice %arg6[%dma_wait3A_216, %dma_wait3A_218, %dma_wait3A_219] : memref<2x800x64xf32, #tpu.memory_space<vmem>> -> memref<1x800x64xf32, #tpu.memory_space<vmem>>
    %dma_wait3A_221 = tpu.memref_squeeze %dma_wait3A_220 : memref<1x800x64xf32, #tpu.memory_space<vmem>> -> memref<800x64xf32, #tpu.memory_space<vmem>>
    %dma_wait3A_222 = arith.constant 5600 : i32
    %dma_wait3A_223 = tpu.memref_slice %arg5[%dma_wait3A_222] : memref<6400xi32, #tpu.memory_space<vmem>> -> memref<800xi32, #tpu.memory_space<vmem>>
    %dma_wait3A_224 = arith.constant 0 : i32
    %dma_wait3A_225 = arith.constant 0 : i32
    %dma_wait3A_226 = tpu.memref_slice %arg2[%dma_wait3A_224, %dma_wait3A_225] : memref<1000000x64xf32, #tpu.memory_space<hbm>> -> memref<1000000x64xf32, #tpu.memory_space<hbm>>
    %dma_wait3A_227 = tpu.memref_slice %arg7[%dma_wait3A_217] : memref<2x!tpu.dma_semaphore, #tpu.memory_space<semaphore_mem>> -> memref<1x!tpu.dma_semaphore, #tpu.memory_space<semaphore_mem>>
    %dma_wait3A_228 = tpu.memref_squeeze %dma_wait3A_227 : memref<1x!tpu.dma_semaphore, #tpu.memory_space<semaphore_mem>> -> memref<!tpu.dma_semaphore, #tpu.memory_space<semaphore_mem>>
    tpu.wait_indirect_dma semaphore(%dma_wait3A_228 : memref<!tpu.dma_semaphore, #tpu.memory_space<semaphore_mem>>) src(%dma_wait3A_226 : memref<1000000x64xf32, #tpu.memory_space<hbm>>) dst(%dma_wait3A_221 : memref<800x64xf32, #tpu.memory_space<vmem>>)
    %add3A_229 = arith.constant 5600 : i32
    %add3A_230 = arith.addi %mul3A_2, %add3A_229 : i32
    %run_scoped3A_231 = arith.constant 1 : i32
    "tpu.region"() ({
      %run_scoped3A_232 = tpu.sem_alloc : memref<!tpu.dma_semaphore, #tpu.memory_space<semaphore_mem>>
      %dma_start3A_233 = arith.constant 0 : i32
      %dma_start3A_234 = arith.constant 0 : i32
      %dma_start3A_235 = tpu.memref_slice %arg6[%run_scoped3A_231, %dma_start3A_233, %dma_start3A_234] : memref<2x800x64xf32, #tpu.memory_space<vmem>> -> memref<1x800x64xf32, #tpu.memory_space<vmem>>
      %dma_start3A_236 = tpu.memref_squeeze %dma_start3A_235 : memref<1x800x64xf32, #tpu.memory_space<vmem>> -> memref<800x64xf32, #tpu.memory_space<vmem>>
      %dma_start3A_237 = arith.constant 0 : i32
      %dma_start3A_238 = tpu.memref_slice %arg4[%add3A_230, %dma_start3A_237] : memref<204800x64xf32, #tpu.memory_space<hbm>> -> memref<800x64xf32, #tpu.memory_space<hbm>>
      %dma_start3A_239 = arith.constant 0 : i32
      %dma_start3A_240 = tpu.memref_slice %arg4[%add3A_230, %dma_start3A_239] : memref<204800x64xf32, #tpu.memory_space<hbm>> -> memref<800x64xf32, #tpu.memory_space<hbm>>
      %dma_start3A_241 = arith.constant 0 : i32
      %dma_start3A_242 = arith.constant 0 : i32
      %dma_start3A_243 = tpu.memref_slice %arg6[%run_scoped3A_231, %dma_start3A_241, %dma_start3A_242] : memref<2x800x64xf32, #tpu.memory_space<vmem>> -> memref<1x800x64xf32, #tpu.memory_space<vmem>>
      %dma_start3A_244 = tpu.memref_squeeze %dma_start3A_243 : memref<1x800x64xf32, #tpu.memory_space<vmem>> -> memref<800x64xf32, #tpu.memory_space<vmem>>
      tpu.enqueue_dma source(%dma_start3A_244 : memref<800x64xf32, #tpu.memory_space<vmem>>) target(%dma_start3A_240 : memref<800x64xf32, #tpu.memory_space<hbm>>) target_semaphore(%run_scoped3A_232 : memref<!tpu.dma_semaphore, #tpu.memory_space<semaphore_mem>>)
      %dma_wait3A_245 = arith.constant 0 : i32
      %dma_wait3A_246 = arith.constant 0 : i32
      %dma_wait3A_247 = tpu.memref_slice %arg6[%run_scoped3A_231, %dma_wait3A_245, %dma_wait3A_246] : memref<2x800x64xf32, #tpu.memory_space<vmem>> -> memref<1x800x64xf32, #tpu.memory_space<vmem>>
      %dma_wait3A_248 = tpu.memref_squeeze %dma_wait3A_247 : memref<1x800x64xf32, #tpu.memory_space<vmem>> -> memref<800x64xf32, #tpu.memory_space<vmem>>
      %dma_wait3A_249 = arith.constant 0 : i32
      %dma_wait3A_250 = tpu.memref_slice %arg4[%add3A_230, %dma_wait3A_249] : memref<204800x64xf32, #tpu.memory_space<hbm>> -> memref<800x64xf32, #tpu.memory_space<hbm>>
      %dma_wait3A_251 = arith.constant 0 : i32
      %dma_wait3A_252 = tpu.memref_slice %arg4[%add3A_230, %dma_wait3A_251] : memref<204800x64xf32, #tpu.memory_space<hbm>> -> memref<800x64xf32, #tpu.memory_space<hbm>>
      %dma_wait3A_253 = arith.constant 0 : i32
      %dma_wait3A_254 = arith.constant 0 : i32
      %dma_wait3A_255 = tpu.memref_slice %arg6[%run_scoped3A_231, %dma_wait3A_253, %dma_wait3A_254] : memref<2x800x64xf32, #tpu.memory_space<vmem>> -> memref<1x800x64xf32, #tpu.memory_space<vmem>>
      %dma_wait3A_256 = tpu.memref_squeeze %dma_wait3A_255 : memref<1x800x64xf32, #tpu.memory_space<vmem>> -> memref<800x64xf32, #tpu.memory_space<vmem>>
      tpu.wait_dma2 semaphore(%run_scoped3A_232 : memref<!tpu.dma_semaphore, #tpu.memory_space<semaphore_mem>>) src(%dma_wait3A_256 : memref<800x64xf32, #tpu.memory_space<vmem>>) dst(%dma_wait3A_252 : memref<800x64xf32, #tpu.memory_space<hbm>>)
      tpu.yield
    }) : () -> ()
    return
  }
}

#map = affine_map<(d0, d1) -> (0, 0)>
#map1 = affine_map<(d0, d1) -> (0)>
module attributes {stable_mosaic.version = 14 : i64} {
  func.func @_g(%arg0: i32, %arg1: i32, %arg2: memref<100000x64xf32, #tpu.memory_space<hbm>>, %arg3: memref<204800xi32, #tpu.memory_space<hbm>>, %arg4: memref<204800x64xf32, #tpu.memory_space<hbm>>, %arg5: memref<6400xi32, #tpu.memory_space<vmem>>, %arg6: memref<2x800x64xf32, #tpu.memory_space<vmem>>, %arg7: memref<2x!tpu.dma_semaphore, #tpu.memory_space<semaphore_mem>>) attributes {dimension_semantics = [#tpu.dimension_semantics<core_parallel>, #tpu.dimension_semantics<subcore_parallel>], iteration_bounds = array<i64: 2, 16>, scalar_prefetch = 0 : i64, scratch_operands = 3 : i64, tpu.core_type = #tpu.core_type<sc_vector_subcore>, window_params = [{transform_indices = #map}, {transform_indices = #map1}, {transform_indices = #map}]} {
    %mul3A = arith.constant 2 : i32
    %mul3A_0 = arith.muli %arg1, %mul3A : i32
    %add3A = arith.addi %mul3A_0, %arg0 : i32
    %mul3A_1 = arith.constant 6400 : i32
    %mul3A_2 = arith.muli %add3A, %mul3A_1 : i32
    "tpu.region"() ({
      %run_scoped3A_232 = tpu.sem_alloc : memref<!tpu.dma_semaphore, #tpu.memory_space<semaphore_mem>>
      %dma_start3A_233 = tpu.memref_slice %arg3[%mul3A_2] : memref<204800xi32, #tpu.memory_space<hbm>> -> memref<6400xi32, #tpu.memory_space<hbm>>
      %dma_start3A_234 = tpu.memref_slice %arg3[%mul3A_2] : memref<204800xi32, #tpu.memory_space<hbm>> -> memref<6400xi32, #tpu.memory_space<hbm>>
      tpu.enqueue_dma source(%dma_start3A_234 : memref<6400xi32, #tpu.memory_space<hbm>>) target(%arg5 : memref<6400xi32, #tpu.memory_space<vmem>>) target_semaphore(%run_scoped3A_232 : memref<!tpu.dma_semaphore, #tpu.memory_space<semaphore_mem>>)
      %dma_wait3A_235 = tpu.memref_slice %arg3[%mul3A_2] : memref<204800xi32, #tpu.memory_space<hbm>> -> memref<6400xi32, #tpu.memory_space<hbm>>
      %dma_wait3A_236 = tpu.memref_slice %arg3[%mul3A_2] : memref<204800xi32, #tpu.memory_space<hbm>> -> memref<6400xi32, #tpu.memory_space<hbm>>
      tpu.wait_dma2 semaphore(%run_scoped3A_232 : memref<!tpu.dma_semaphore, #tpu.memory_space<semaphore_mem>>) src(%dma_wait3A_236 : memref<6400xi32, #tpu.memory_space<hbm>>) dst(%arg5 : memref<6400xi32, #tpu.memory_space<vmem>>)
      tpu.yield
    }) : () -> ()
    %dma_start3A = arith.constant 0 : i32
    %dma_start3A_3 = arith.constant 0 : i32
    %dma_start3A_4 = arith.constant 0 : i32
    %dma_start3A_5 = arith.constant 0 : i32
    %dma_start3A_6 = tpu.memref_slice %arg6[%dma_start3A, %dma_start3A_4, %dma_start3A_5] : memref<2x800x64xf32, #tpu.memory_space<vmem>> -> memref<1x800x64xf32, #tpu.memory_space<vmem>>
    %dma_start3A_7 = tpu.memref_squeeze %dma_start3A_6 : memref<1x800x64xf32, #tpu.memory_space<vmem>> -> memref<800x64xf32, #tpu.memory_space<vmem>>
    %dma_start3A_8 = arith.constant 0 : i32
    %dma_start3A_9 = tpu.memref_slice %arg5[%dma_start3A_8] : memref<6400xi32, #tpu.memory_space<vmem>> -> memref<800xi32, #tpu.memory_space<vmem>>
    %dma_start3A_10 = arith.constant 0 : i32
    %dma_start3A_11 = arith.constant 0 : i32
    %dma_start3A_12 = tpu.memref_slice %arg2[%dma_start3A_10, %dma_start3A_11] : memref<100000x64xf32, #tpu.memory_space<hbm>> -> memref<100000x64xf32, #tpu.memory_space<hbm>>
    %dma_start3A_13 = tpu.memref_slice %arg7[%dma_start3A_3] : memref<2x!tpu.dma_semaphore, #tpu.memory_space<semaphore_mem>> -> memref<1x!tpu.dma_semaphore, #tpu.memory_space<semaphore_mem>>
    %dma_start3A_14 = tpu.memref_squeeze %dma_start3A_13 : memref<1x!tpu.dma_semaphore, #tpu.memory_space<semaphore_mem>> -> memref<!tpu.dma_semaphore, #tpu.memory_space<semaphore_mem>>
    tpu.enqueue_indirect_dma source(%dma_start3A_12 : memref<100000x64xf32, #tpu.memory_space<hbm>>) target(%dma_start3A_7 : memref<800x64xf32, #tpu.memory_space<vmem>>) offsets(%dma_start3A_9 : memref<800xi32, #tpu.memory_space<vmem>>) semaphore(%dma_start3A_14 : memref<!tpu.dma_semaphore, #tpu.memory_space<semaphore_mem>>)
    %dma_start3A_15 = arith.constant 1 : i32
    %dma_start3A_16 = arith.constant 1 : i32
    %dma_start3A_17 = arith.constant 0 : i32
    %dma_start3A_18 = arith.constant 0 : i32
    %dma_start3A_19 = tpu.memref_slice %arg6[%dma_start3A_15, %dma_start3A_17, %dma_start3A_18] : memref<2x800x64xf32, #tpu.memory_space<vmem>> -> memref<1x800x64xf32, #tpu.memory_space<vmem>>
    %dma_start3A_20 = tpu.memref_squeeze %dma_start3A_19 : memref<1x800x64xf32, #tpu.memory_space<vmem>> -> memref<800x64xf32, #tpu.memory_space<vmem>>
    %dma_start3A_21 = arith.constant 800 : i32
    %dma_start3A_22 = tpu.memref_slice %arg5[%dma_start3A_21] : memref<6400xi32, #tpu.memory_space<vmem>> -> memref<800xi32, #tpu.memory_space<vmem>>
    %dma_start3A_23 = arith.constant 0 : i32
    %dma_start3A_24 = arith.constant 0 : i32
    %dma_start3A_25 = tpu.memref_slice %arg2[%dma_start3A_23, %dma_start3A_24] : memref<100000x64xf32, #tpu.memory_space<hbm>> -> memref<100000x64xf32, #tpu.memory_space<hbm>>
    %dma_start3A_26 = tpu.memref_slice %arg7[%dma_start3A_16] : memref<2x!tpu.dma_semaphore, #tpu.memory_space<semaphore_mem>> -> memref<1x!tpu.dma_semaphore, #tpu.memory_space<semaphore_mem>>
    %dma_start3A_27 = tpu.memref_squeeze %dma_start3A_26 : memref<1x!tpu.dma_semaphore, #tpu.memory_space<semaphore_mem>> -> memref<!tpu.dma_semaphore, #tpu.memory_space<semaphore_mem>>
    tpu.enqueue_indirect_dma source(%dma_start3A_25 : memref<100000x64xf32, #tpu.memory_space<hbm>>) target(%dma_start3A_20 : memref<800x64xf32, #tpu.memory_space<vmem>>) offsets(%dma_start3A_22 : memref<800xi32, #tpu.memory_space<vmem>>) semaphore(%dma_start3A_27 : memref<!tpu.dma_semaphore, #tpu.memory_space<semaphore_mem>>)
    %dma_wait3A = arith.constant 0 : i32
    %dma_wait3A_28 = arith.constant 0 : i32
    %dma_wait3A_29 = arith.constant 0 : i32
    %dma_wait3A_30 = arith.constant 0 : i32
    %dma_wait3A_31 = tpu.memref_slice %arg6[%dma_wait3A, %dma_wait3A_29, %dma_wait3A_30] : memref<2x800x64xf32, #tpu.memory_space<vmem>> -> memref<1x800x64xf32, #tpu.memory_space<vmem>>
    %dma_wait3A_32 = tpu.memref_squeeze %dma_wait3A_31 : memref<1x800x64xf32, #tpu.memory_space<vmem>> -> memref<800x64xf32, #tpu.memory_space<vmem>>
    %dma_wait3A_33 = arith.constant 0 : i32
    %dma_wait3A_34 = tpu.memref_slice %arg5[%dma_wait3A_33] : memref<6400xi32, #tpu.memory_space<vmem>> -> memref<800xi32, #tpu.memory_space<vmem>>
    %dma_wait3A_35 = arith.constant 0 : i32
    %dma_wait3A_36 = arith.constant 0 : i32
    %dma_wait3A_37 = tpu.memref_slice %arg2[%dma_wait3A_35, %dma_wait3A_36] : memref<100000x64xf32, #tpu.memory_space<hbm>> -> memref<100000x64xf32, #tpu.memory_space<hbm>>
    %dma_wait3A_38 = tpu.memref_slice %arg7[%dma_wait3A_28] : memref<2x!tpu.dma_semaphore, #tpu.memory_space<semaphore_mem>> -> memref<1x!tpu.dma_semaphore, #tpu.memory_space<semaphore_mem>>
    %dma_wait3A_39 = tpu.memref_squeeze %dma_wait3A_38 : memref<1x!tpu.dma_semaphore, #tpu.memory_space<semaphore_mem>> -> memref<!tpu.dma_semaphore, #tpu.memory_space<semaphore_mem>>
    tpu.wait_indirect_dma semaphore(%dma_wait3A_39 : memref<!tpu.dma_semaphore, #tpu.memory_space<semaphore_mem>>) src(%dma_wait3A_37 : memref<100000x64xf32, #tpu.memory_space<hbm>>) dst(%dma_wait3A_32 : memref<800x64xf32, #tpu.memory_space<vmem>>)
    %add3A_40 = arith.constant 0 : i32
    %add3A_41 = arith.addi %mul3A_2, %add3A_40 : i32
    %run_scoped3A = arith.constant 0 : i32
    "tpu.region"() ({
      %run_scoped3A_232 = tpu.sem_alloc : memref<!tpu.dma_semaphore, #tpu.memory_space<semaphore_mem>>
      %dma_start3A_233 = arith.constant 0 : i32
      %dma_start3A_234 = arith.constant 0 : i32
      %dma_start3A_235 = tpu.memref_slice %arg6[%run_scoped3A, %dma_start3A_233, %dma_start3A_234] : memref<2x800x64xf32, #tpu.memory_space<vmem>> -> memref<1x800x64xf32, #tpu.memory_space<vmem>>
      %dma_start3A_236 = tpu.memref_squeeze %dma_start3A_235 : memref<1x800x64xf32, #tpu.memory_space<vmem>> -> memref<800x64xf32, #tpu.memory_space<vmem>>
      %dma_start3A_237 = arith.constant 0 : i32
      %dma_start3A_238 = tpu.memref_slice %arg4[%add3A_41, %dma_start3A_237] : memref<204800x64xf32, #tpu.memory_space<hbm>> -> memref<800x64xf32, #tpu.memory_space<hbm>>
      %dma_start3A_239 = arith.constant 0 : i32
      %dma_start3A_240 = tpu.memref_slice %arg4[%add3A_41, %dma_start3A_239] : memref<204800x64xf32, #tpu.memory_space<hbm>> -> memref<800x64xf32, #tpu.memory_space<hbm>>
      %dma_start3A_241 = arith.constant 0 : i32
      %dma_start3A_242 = arith.constant 0 : i32
      %dma_start3A_243 = tpu.memref_slice %arg6[%run_scoped3A, %dma_start3A_241, %dma_start3A_242] : memref<2x800x64xf32, #tpu.memory_space<vmem>> -> memref<1x800x64xf32, #tpu.memory_space<vmem>>
      %dma_start3A_244 = tpu.memref_squeeze %dma_start3A_243 : memref<1x800x64xf32, #tpu.memory_space<vmem>> -> memref<800x64xf32, #tpu.memory_space<vmem>>
      tpu.enqueue_dma source(%dma_start3A_244 : memref<800x64xf32, #tpu.memory_space<vmem>>) target(%dma_start3A_240 : memref<800x64xf32, #tpu.memory_space<hbm>>) target_semaphore(%run_scoped3A_232 : memref<!tpu.dma_semaphore, #tpu.memory_space<semaphore_mem>>)
      %dma_wait3A_245 = arith.constant 0 : i32
      %dma_wait3A_246 = arith.constant 0 : i32
      %dma_wait3A_247 = tpu.memref_slice %arg6[%run_scoped3A, %dma_wait3A_245, %dma_wait3A_246] : memref<2x800x64xf32, #tpu.memory_space<vmem>> -> memref<1x800x64xf32, #tpu.memory_space<vmem>>
      %dma_wait3A_248 = tpu.memref_squeeze %dma_wait3A_247 : memref<1x800x64xf32, #tpu.memory_space<vmem>> -> memref<800x64xf32, #tpu.memory_space<vmem>>
      %dma_wait3A_249 = arith.constant 0 : i32
      %dma_wait3A_250 = tpu.memref_slice %arg4[%add3A_41, %dma_wait3A_249] : memref<204800x64xf32, #tpu.memory_space<hbm>> -> memref<800x64xf32, #tpu.memory_space<hbm>>
      %dma_wait3A_251 = arith.constant 0 : i32
      %dma_wait3A_252 = tpu.memref_slice %arg4[%add3A_41, %dma_wait3A_251] : memref<204800x64xf32, #tpu.memory_space<hbm>> -> memref<800x64xf32, #tpu.memory_space<hbm>>
      %dma_wait3A_253 = arith.constant 0 : i32
      %dma_wait3A_254 = arith.constant 0 : i32
      %dma_wait3A_255 = tpu.memref_slice %arg6[%run_scoped3A, %dma_wait3A_253, %dma_wait3A_254] : memref<2x800x64xf32, #tpu.memory_space<vmem>> -> memref<1x800x64xf32, #tpu.memory_space<vmem>>
      %dma_wait3A_256 = tpu.memref_squeeze %dma_wait3A_255 : memref<1x800x64xf32, #tpu.memory_space<vmem>> -> memref<800x64xf32, #tpu.memory_space<vmem>>
      tpu.wait_dma2 semaphore(%run_scoped3A_232 : memref<!tpu.dma_semaphore, #tpu.memory_space<semaphore_mem>>) src(%dma_wait3A_256 : memref<800x64xf32, #tpu.memory_space<vmem>>) dst(%dma_wait3A_252 : memref<800x64xf32, #tpu.memory_space<hbm>>)
      tpu.yield
    }) : () -> ()
    %dma_start3A_42 = arith.constant 0 : i32
    %dma_start3A_43 = arith.constant 0 : i32
    %dma_start3A_44 = arith.constant 0 : i32
    %dma_start3A_45 = arith.constant 0 : i32
    %dma_start3A_46 = tpu.memref_slice %arg6[%dma_start3A_42, %dma_start3A_44, %dma_start3A_45] : memref<2x800x64xf32, #tpu.memory_space<vmem>> -> memref<1x800x64xf32, #tpu.memory_space<vmem>>
    %dma_start3A_47 = tpu.memref_squeeze %dma_start3A_46 : memref<1x800x64xf32, #tpu.memory_space<vmem>> -> memref<800x64xf32, #tpu.memory_space<vmem>>
    %dma_start3A_48 = arith.constant 1600 : i32
    %dma_start3A_49 = tpu.memref_slice %arg5[%dma_start3A_48] : memref<6400xi32, #tpu.memory_space<vmem>> -> memref<800xi32, #tpu.memory_space<vmem>>
    %dma_start3A_50 = arith.constant 0 : i32
    %dma_start3A_51 = arith.constant 0 : i32
    %dma_start3A_52 = tpu.memref_slice %arg2[%dma_start3A_50, %dma_start3A_51] : memref<100000x64xf32, #tpu.memory_space<hbm>> -> memref<100000x64xf32, #tpu.memory_space<hbm>>
    %dma_start3A_53 = tpu.memref_slice %arg7[%dma_start3A_43] : memref<2x!tpu.dma_semaphore, #tpu.memory_space<semaphore_mem>> -> memref<1x!tpu.dma_semaphore, #tpu.memory_space<semaphore_mem>>
    %dma_start3A_54 = tpu.memref_squeeze %dma_start3A_53 : memref<1x!tpu.dma_semaphore, #tpu.memory_space<semaphore_mem>> -> memref<!tpu.dma_semaphore, #tpu.memory_space<semaphore_mem>>
    tpu.enqueue_indirect_dma source(%dma_start3A_52 : memref<100000x64xf32, #tpu.memory_space<hbm>>) target(%dma_start3A_47 : memref<800x64xf32, #tpu.memory_space<vmem>>) offsets(%dma_start3A_49 : memref<800xi32, #tpu.memory_space<vmem>>) semaphore(%dma_start3A_54 : memref<!tpu.dma_semaphore, #tpu.memory_space<semaphore_mem>>)
    %dma_wait3A_55 = arith.constant 1 : i32
    %dma_wait3A_56 = arith.constant 1 : i32
    %dma_wait3A_57 = arith.constant 0 : i32
    %dma_wait3A_58 = arith.constant 0 : i32
    %dma_wait3A_59 = tpu.memref_slice %arg6[%dma_wait3A_55, %dma_wait3A_57, %dma_wait3A_58] : memref<2x800x64xf32, #tpu.memory_space<vmem>> -> memref<1x800x64xf32, #tpu.memory_space<vmem>>
    %dma_wait3A_60 = tpu.memref_squeeze %dma_wait3A_59 : memref<1x800x64xf32, #tpu.memory_space<vmem>> -> memref<800x64xf32, #tpu.memory_space<vmem>>
    %dma_wait3A_61 = arith.constant 800 : i32
    %dma_wait3A_62 = tpu.memref_slice %arg5[%dma_wait3A_61] : memref<6400xi32, #tpu.memory_space<vmem>> -> memref<800xi32, #tpu.memory_space<vmem>>
    %dma_wait3A_63 = arith.constant 0 : i32
    %dma_wait3A_64 = arith.constant 0 : i32
    %dma_wait3A_65 = tpu.memref_slice %arg2[%dma_wait3A_63, %dma_wait3A_64] : memref<100000x64xf32, #tpu.memory_space<hbm>> -> memref<100000x64xf32, #tpu.memory_space<hbm>>
    %dma_wait3A_66 = tpu.memref_slice %arg7[%dma_wait3A_56] : memref<2x!tpu.dma_semaphore, #tpu.memory_space<semaphore_mem>> -> memref<1x!tpu.dma_semaphore, #tpu.memory_space<semaphore_mem>>
    %dma_wait3A_67 = tpu.memref_squeeze %dma_wait3A_66 : memref<1x!tpu.dma_semaphore, #tpu.memory_space<semaphore_mem>> -> memref<!tpu.dma_semaphore, #tpu.memory_space<semaphore_mem>>
    tpu.wait_indirect_dma semaphore(%dma_wait3A_67 : memref<!tpu.dma_semaphore, #tpu.memory_space<semaphore_mem>>) src(%dma_wait3A_65 : memref<100000x64xf32, #tpu.memory_space<hbm>>) dst(%dma_wait3A_60 : memref<800x64xf32, #tpu.memory_space<vmem>>)
    %add3A_68 = arith.constant 800 : i32
    %add3A_69 = arith.addi %mul3A_2, %add3A_68 : i32
    %run_scoped3A_70 = arith.constant 1 : i32
    "tpu.region"() ({
      %run_scoped3A_232 = tpu.sem_alloc : memref<!tpu.dma_semaphore, #tpu.memory_space<semaphore_mem>>
      %dma_start3A_233 = arith.constant 0 : i32
      %dma_start3A_234 = arith.constant 0 : i32
      %dma_start3A_235 = tpu.memref_slice %arg6[%run_scoped3A_70, %dma_start3A_233, %dma_start3A_234] : memref<2x800x64xf32, #tpu.memory_space<vmem>> -> memref<1x800x64xf32, #tpu.memory_space<vmem>>
      %dma_start3A_236 = tpu.memref_squeeze %dma_start3A_235 : memref<1x800x64xf32, #tpu.memory_space<vmem>> -> memref<800x64xf32, #tpu.memory_space<vmem>>
      %dma_start3A_237 = arith.constant 0 : i32
      %dma_start3A_238 = tpu.memref_slice %arg4[%add3A_69, %dma_start3A_237] : memref<204800x64xf32, #tpu.memory_space<hbm>> -> memref<800x64xf32, #tpu.memory_space<hbm>>
      %dma_start3A_239 = arith.constant 0 : i32
      %dma_start3A_240 = tpu.memref_slice %arg4[%add3A_69, %dma_start3A_239] : memref<204800x64xf32, #tpu.memory_space<hbm>> -> memref<800x64xf32, #tpu.memory_space<hbm>>
      %dma_start3A_241 = arith.constant 0 : i32
      %dma_start3A_242 = arith.constant 0 : i32
      %dma_start3A_243 = tpu.memref_slice %arg6[%run_scoped3A_70, %dma_start3A_241, %dma_start3A_242] : memref<2x800x64xf32, #tpu.memory_space<vmem>> -> memref<1x800x64xf32, #tpu.memory_space<vmem>>
      %dma_start3A_244 = tpu.memref_squeeze %dma_start3A_243 : memref<1x800x64xf32, #tpu.memory_space<vmem>> -> memref<800x64xf32, #tpu.memory_space<vmem>>
      tpu.enqueue_dma source(%dma_start3A_244 : memref<800x64xf32, #tpu.memory_space<vmem>>) target(%dma_start3A_240 : memref<800x64xf32, #tpu.memory_space<hbm>>) target_semaphore(%run_scoped3A_232 : memref<!tpu.dma_semaphore, #tpu.memory_space<semaphore_mem>>)
      %dma_wait3A_245 = arith.constant 0 : i32
      %dma_wait3A_246 = arith.constant 0 : i32
      %dma_wait3A_247 = tpu.memref_slice %arg6[%run_scoped3A_70, %dma_wait3A_245, %dma_wait3A_246] : memref<2x800x64xf32, #tpu.memory_space<vmem>> -> memref<1x800x64xf32, #tpu.memory_space<vmem>>
      %dma_wait3A_248 = tpu.memref_squeeze %dma_wait3A_247 : memref<1x800x64xf32, #tpu.memory_space<vmem>> -> memref<800x64xf32, #tpu.memory_space<vmem>>
      %dma_wait3A_249 = arith.constant 0 : i32
      %dma_wait3A_250 = tpu.memref_slice %arg4[%add3A_69, %dma_wait3A_249] : memref<204800x64xf32, #tpu.memory_space<hbm>> -> memref<800x64xf32, #tpu.memory_space<hbm>>
      %dma_wait3A_251 = arith.constant 0 : i32
      %dma_wait3A_252 = tpu.memref_slice %arg4[%add3A_69, %dma_wait3A_251] : memref<204800x64xf32, #tpu.memory_space<hbm>> -> memref<800x64xf32, #tpu.memory_space<hbm>>
      %dma_wait3A_253 = arith.constant 0 : i32
      %dma_wait3A_254 = arith.constant 0 : i32
      %dma_wait3A_255 = tpu.memref_slice %arg6[%run_scoped3A_70, %dma_wait3A_253, %dma_wait3A_254] : memref<2x800x64xf32, #tpu.memory_space<vmem>> -> memref<1x800x64xf32, #tpu.memory_space<vmem>>
      %dma_wait3A_256 = tpu.memref_squeeze %dma_wait3A_255 : memref<1x800x64xf32, #tpu.memory_space<vmem>> -> memref<800x64xf32, #tpu.memory_space<vmem>>
      tpu.wait_dma2 semaphore(%run_scoped3A_232 : memref<!tpu.dma_semaphore, #tpu.memory_space<semaphore_mem>>) src(%dma_wait3A_256 : memref<800x64xf32, #tpu.memory_space<vmem>>) dst(%dma_wait3A_252 : memref<800x64xf32, #tpu.memory_space<hbm>>)
      tpu.yield
    }) : () -> ()
    %dma_start3A_71 = arith.constant 1 : i32
    %dma_start3A_72 = arith.constant 1 : i32
    %dma_start3A_73 = arith.constant 0 : i32
    %dma_start3A_74 = arith.constant 0 : i32
    %dma_start3A_75 = tpu.memref_slice %arg6[%dma_start3A_71, %dma_start3A_73, %dma_start3A_74] : memref<2x800x64xf32, #tpu.memory_space<vmem>> -> memref<1x800x64xf32, #tpu.memory_space<vmem>>
    %dma_start3A_76 = tpu.memref_squeeze %dma_start3A_75 : memref<1x800x64xf32, #tpu.memory_space<vmem>> -> memref<800x64xf32, #tpu.memory_space<vmem>>
    %dma_start3A_77 = arith.constant 2400 : i32
    %dma_start3A_78 = tpu.memref_slice %arg5[%dma_start3A_77] : memref<6400xi32, #tpu.memory_space<vmem>> -> memref<800xi32, #tpu.memory_space<vmem>>
    %dma_start3A_79 = arith.constant 0 : i32
    %dma_start3A_80 = arith.constant 0 : i32
    %dma_start3A_81 = tpu.memref_slice %arg2[%dma_start3A_79, %dma_start3A_80] : memref<100000x64xf32, #tpu.memory_space<hbm>> -> memref<100000x64xf32, #tpu.memory_space<hbm>>
    %dma_start3A_82 = tpu.memref_slice %arg7[%dma_start3A_72] : memref<2x!tpu.dma_semaphore, #tpu.memory_space<semaphore_mem>> -> memref<1x!tpu.dma_semaphore, #tpu.memory_space<semaphore_mem>>
    %dma_start3A_83 = tpu.memref_squeeze %dma_start3A_82 : memref<1x!tpu.dma_semaphore, #tpu.memory_space<semaphore_mem>> -> memref<!tpu.dma_semaphore, #tpu.memory_space<semaphore_mem>>
    tpu.enqueue_indirect_dma source(%dma_start3A_81 : memref<100000x64xf32, #tpu.memory_space<hbm>>) target(%dma_start3A_76 : memref<800x64xf32, #tpu.memory_space<vmem>>) offsets(%dma_start3A_78 : memref<800xi32, #tpu.memory_space<vmem>>) semaphore(%dma_start3A_83 : memref<!tpu.dma_semaphore, #tpu.memory_space<semaphore_mem>>)
    %dma_wait3A_84 = arith.constant 0 : i32
    %dma_wait3A_85 = arith.constant 0 : i32
    %dma_wait3A_86 = arith.constant 0 : i32
    %dma_wait3A_87 = arith.constant 0 : i32
    %dma_wait3A_88 = tpu.memref_slice %arg6[%dma_wait3A_84, %dma_wait3A_86, %dma_wait3A_87] : memref<2x800x64xf32, #tpu.memory_space<vmem>> -> memref<1x800x64xf32, #tpu.memory_space<vmem>>
    %dma_wait3A_89 = tpu.memref_squeeze %dma_wait3A_88 : memref<1x800x64xf32, #tpu.memory_space<vmem>> -> memref<800x64xf32, #tpu.memory_space<vmem>>
    %dma_wait3A_90 = arith.constant 1600 : i32
    %dma_wait3A_91 = tpu.memref_slice %arg5[%dma_wait3A_90] : memref<6400xi32, #tpu.memory_space<vmem>> -> memref<800xi32, #tpu.memory_space<vmem>>
    %dma_wait3A_92 = arith.constant 0 : i32
    %dma_wait3A_93 = arith.constant 0 : i32
    %dma_wait3A_94 = tpu.memref_slice %arg2[%dma_wait3A_92, %dma_wait3A_93] : memref<100000x64xf32, #tpu.memory_space<hbm>> -> memref<100000x64xf32, #tpu.memory_space<hbm>>
    %dma_wait3A_95 = tpu.memref_slice %arg7[%dma_wait3A_85] : memref<2x!tpu.dma_semaphore, #tpu.memory_space<semaphore_mem>> -> memref<1x!tpu.dma_semaphore, #tpu.memory_space<semaphore_mem>>
    %dma_wait3A_96 = tpu.memref_squeeze %dma_wait3A_95 : memref<1x!tpu.dma_semaphore, #tpu.memory_space<semaphore_mem>> -> memref<!tpu.dma_semaphore, #tpu.memory_space<semaphore_mem>>
    tpu.wait_indirect_dma semaphore(%dma_wait3A_96 : memref<!tpu.dma_semaphore, #tpu.memory_space<semaphore_mem>>) src(%dma_wait3A_94 : memref<100000x64xf32, #tpu.memory_space<hbm>>) dst(%dma_wait3A_89 : memref<800x64xf32, #tpu.memory_space<vmem>>)
    %add3A_97 = arith.constant 1600 : i32
    %add3A_98 = arith.addi %mul3A_2, %add3A_97 : i32
    %run_scoped3A_99 = arith.constant 0 : i32
    "tpu.region"() ({
      %run_scoped3A_232 = tpu.sem_alloc : memref<!tpu.dma_semaphore, #tpu.memory_space<semaphore_mem>>
      %dma_start3A_233 = arith.constant 0 : i32
      %dma_start3A_234 = arith.constant 0 : i32
      %dma_start3A_235 = tpu.memref_slice %arg6[%run_scoped3A_99, %dma_start3A_233, %dma_start3A_234] : memref<2x800x64xf32, #tpu.memory_space<vmem>> -> memref<1x800x64xf32, #tpu.memory_space<vmem>>
      %dma_start3A_236 = tpu.memref_squeeze %dma_start3A_235 : memref<1x800x64xf32, #tpu.memory_space<vmem>> -> memref<800x64xf32, #tpu.memory_space<vmem>>
      %dma_start3A_237 = arith.constant 0 : i32
      %dma_start3A_238 = tpu.memref_slice %arg4[%add3A_98, %dma_start3A_237] : memref<204800x64xf32, #tpu.memory_space<hbm>> -> memref<800x64xf32, #tpu.memory_space<hbm>>
      %dma_start3A_239 = arith.constant 0 : i32
      %dma_start3A_240 = tpu.memref_slice %arg4[%add3A_98, %dma_start3A_239] : memref<204800x64xf32, #tpu.memory_space<hbm>> -> memref<800x64xf32, #tpu.memory_space<hbm>>
      %dma_start3A_241 = arith.constant 0 : i32
      %dma_start3A_242 = arith.constant 0 : i32
      %dma_start3A_243 = tpu.memref_slice %arg6[%run_scoped3A_99, %dma_start3A_241, %dma_start3A_242] : memref<2x800x64xf32, #tpu.memory_space<vmem>> -> memref<1x800x64xf32, #tpu.memory_space<vmem>>
      %dma_start3A_244 = tpu.memref_squeeze %dma_start3A_243 : memref<1x800x64xf32, #tpu.memory_space<vmem>> -> memref<800x64xf32, #tpu.memory_space<vmem>>
      tpu.enqueue_dma source(%dma_start3A_244 : memref<800x64xf32, #tpu.memory_space<vmem>>) target(%dma_start3A_240 : memref<800x64xf32, #tpu.memory_space<hbm>>) target_semaphore(%run_scoped3A_232 : memref<!tpu.dma_semaphore, #tpu.memory_space<semaphore_mem>>)
      %dma_wait3A_245 = arith.constant 0 : i32
      %dma_wait3A_246 = arith.constant 0 : i32
      %dma_wait3A_247 = tpu.memref_slice %arg6[%run_scoped3A_99, %dma_wait3A_245, %dma_wait3A_246] : memref<2x800x64xf32, #tpu.memory_space<vmem>> -> memref<1x800x64xf32, #tpu.memory_space<vmem>>
      %dma_wait3A_248 = tpu.memref_squeeze %dma_wait3A_247 : memref<1x800x64xf32, #tpu.memory_space<vmem>> -> memref<800x64xf32, #tpu.memory_space<vmem>>
      %dma_wait3A_249 = arith.constant 0 : i32
      %dma_wait3A_250 = tpu.memref_slice %arg4[%add3A_98, %dma_wait3A_249] : memref<204800x64xf32, #tpu.memory_space<hbm>> -> memref<800x64xf32, #tpu.memory_space<hbm>>
      %dma_wait3A_251 = arith.constant 0 : i32
      %dma_wait3A_252 = tpu.memref_slice %arg4[%add3A_98, %dma_wait3A_251] : memref<204800x64xf32, #tpu.memory_space<hbm>> -> memref<800x64xf32, #tpu.memory_space<hbm>>
      %dma_wait3A_253 = arith.constant 0 : i32
      %dma_wait3A_254 = arith.constant 0 : i32
      %dma_wait3A_255 = tpu.memref_slice %arg6[%run_scoped3A_99, %dma_wait3A_253, %dma_wait3A_254] : memref<2x800x64xf32, #tpu.memory_space<vmem>> -> memref<1x800x64xf32, #tpu.memory_space<vmem>>
      %dma_wait3A_256 = tpu.memref_squeeze %dma_wait3A_255 : memref<1x800x64xf32, #tpu.memory_space<vmem>> -> memref<800x64xf32, #tpu.memory_space<vmem>>
      tpu.wait_dma2 semaphore(%run_scoped3A_232 : memref<!tpu.dma_semaphore, #tpu.memory_space<semaphore_mem>>) src(%dma_wait3A_256 : memref<800x64xf32, #tpu.memory_space<vmem>>) dst(%dma_wait3A_252 : memref<800x64xf32, #tpu.memory_space<hbm>>)
      tpu.yield
    }) : () -> ()
    %dma_start3A_100 = arith.constant 0 : i32
    %dma_start3A_101 = arith.constant 0 : i32
    %dma_start3A_102 = arith.constant 0 : i32
    %dma_start3A_103 = arith.constant 0 : i32
    %dma_start3A_104 = tpu.memref_slice %arg6[%dma_start3A_100, %dma_start3A_102, %dma_start3A_103] : memref<2x800x64xf32, #tpu.memory_space<vmem>> -> memref<1x800x64xf32, #tpu.memory_space<vmem>>
    %dma_start3A_105 = tpu.memref_squeeze %dma_start3A_104 : memref<1x800x64xf32, #tpu.memory_space<vmem>> -> memref<800x64xf32, #tpu.memory_space<vmem>>
    %dma_start3A_106 = arith.constant 3200 : i32
    %dma_start3A_107 = tpu.memref_slice %arg5[%dma_start3A_106] : memref<6400xi32, #tpu.memory_space<vmem>> -> memref<800xi32, #tpu.memory_space<vmem>>
    %dma_start3A_108 = arith.constant 0 : i32
    %dma_start3A_109 = arith.constant 0 : i32
    %dma_start3A_110 = tpu.memref_slice %arg2[%dma_start3A_108, %dma_start3A_109] : memref<100000x64xf32, #tpu.memory_space<hbm>> -> memref<100000x64xf32, #tpu.memory_space<hbm>>
    %dma_start3A_111 = tpu.memref_slice %arg7[%dma_start3A_101] : memref<2x!tpu.dma_semaphore, #tpu.memory_space<semaphore_mem>> -> memref<1x!tpu.dma_semaphore, #tpu.memory_space<semaphore_mem>>
    %dma_start3A_112 = tpu.memref_squeeze %dma_start3A_111 : memref<1x!tpu.dma_semaphore, #tpu.memory_space<semaphore_mem>> -> memref<!tpu.dma_semaphore, #tpu.memory_space<semaphore_mem>>
    tpu.enqueue_indirect_dma source(%dma_start3A_110 : memref<100000x64xf32, #tpu.memory_space<hbm>>) target(%dma_start3A_105 : memref<800x64xf32, #tpu.memory_space<vmem>>) offsets(%dma_start3A_107 : memref<800xi32, #tpu.memory_space<vmem>>) semaphore(%dma_start3A_112 : memref<!tpu.dma_semaphore, #tpu.memory_space<semaphore_mem>>)
    %dma_wait3A_113 = arith.constant 1 : i32
    %dma_wait3A_114 = arith.constant 1 : i32
    %dma_wait3A_115 = arith.constant 0 : i32
    %dma_wait3A_116 = arith.constant 0 : i32
    %dma_wait3A_117 = tpu.memref_slice %arg6[%dma_wait3A_113, %dma_wait3A_115, %dma_wait3A_116] : memref<2x800x64xf32, #tpu.memory_space<vmem>> -> memref<1x800x64xf32, #tpu.memory_space<vmem>>
    %dma_wait3A_118 = tpu.memref_squeeze %dma_wait3A_117 : memref<1x800x64xf32, #tpu.memory_space<vmem>> -> memref<800x64xf32, #tpu.memory_space<vmem>>
    %dma_wait3A_119 = arith.constant 2400 : i32
    %dma_wait3A_120 = tpu.memref_slice %arg5[%dma_wait3A_119] : memref<6400xi32, #tpu.memory_space<vmem>> -> memref<800xi32, #tpu.memory_space<vmem>>
    %dma_wait3A_121 = arith.constant 0 : i32
    %dma_wait3A_122 = arith.constant 0 : i32
    %dma_wait3A_123 = tpu.memref_slice %arg2[%dma_wait3A_121, %dma_wait3A_122] : memref<100000x64xf32, #tpu.memory_space<hbm>> -> memref<100000x64xf32, #tpu.memory_space<hbm>>
    %dma_wait3A_124 = tpu.memref_slice %arg7[%dma_wait3A_114] : memref<2x!tpu.dma_semaphore, #tpu.memory_space<semaphore_mem>> -> memref<1x!tpu.dma_semaphore, #tpu.memory_space<semaphore_mem>>
    %dma_wait3A_125 = tpu.memref_squeeze %dma_wait3A_124 : memref<1x!tpu.dma_semaphore, #tpu.memory_space<semaphore_mem>> -> memref<!tpu.dma_semaphore, #tpu.memory_space<semaphore_mem>>
    tpu.wait_indirect_dma semaphore(%dma_wait3A_125 : memref<!tpu.dma_semaphore, #tpu.memory_space<semaphore_mem>>) src(%dma_wait3A_123 : memref<100000x64xf32, #tpu.memory_space<hbm>>) dst(%dma_wait3A_118 : memref<800x64xf32, #tpu.memory_space<vmem>>)
    %add3A_126 = arith.constant 2400 : i32
    %add3A_127 = arith.addi %mul3A_2, %add3A_126 : i32
    %run_scoped3A_128 = arith.constant 1 : i32
    "tpu.region"() ({
      %run_scoped3A_232 = tpu.sem_alloc : memref<!tpu.dma_semaphore, #tpu.memory_space<semaphore_mem>>
      %dma_start3A_233 = arith.constant 0 : i32
      %dma_start3A_234 = arith.constant 0 : i32
      %dma_start3A_235 = tpu.memref_slice %arg6[%run_scoped3A_128, %dma_start3A_233, %dma_start3A_234] : memref<2x800x64xf32, #tpu.memory_space<vmem>> -> memref<1x800x64xf32, #tpu.memory_space<vmem>>
      %dma_start3A_236 = tpu.memref_squeeze %dma_start3A_235 : memref<1x800x64xf32, #tpu.memory_space<vmem>> -> memref<800x64xf32, #tpu.memory_space<vmem>>
      %dma_start3A_237 = arith.constant 0 : i32
      %dma_start3A_238 = tpu.memref_slice %arg4[%add3A_127, %dma_start3A_237] : memref<204800x64xf32, #tpu.memory_space<hbm>> -> memref<800x64xf32, #tpu.memory_space<hbm>>
      %dma_start3A_239 = arith.constant 0 : i32
      %dma_start3A_240 = tpu.memref_slice %arg4[%add3A_127, %dma_start3A_239] : memref<204800x64xf32, #tpu.memory_space<hbm>> -> memref<800x64xf32, #tpu.memory_space<hbm>>
      %dma_start3A_241 = arith.constant 0 : i32
      %dma_start3A_242 = arith.constant 0 : i32
      %dma_start3A_243 = tpu.memref_slice %arg6[%run_scoped3A_128, %dma_start3A_241, %dma_start3A_242] : memref<2x800x64xf32, #tpu.memory_space<vmem>> -> memref<1x800x64xf32, #tpu.memory_space<vmem>>
      %dma_start3A_244 = tpu.memref_squeeze %dma_start3A_243 : memref<1x800x64xf32, #tpu.memory_space<vmem>> -> memref<800x64xf32, #tpu.memory_space<vmem>>
      tpu.enqueue_dma source(%dma_start3A_244 : memref<800x64xf32, #tpu.memory_space<vmem>>) target(%dma_start3A_240 : memref<800x64xf32, #tpu.memory_space<hbm>>) target_semaphore(%run_scoped3A_232 : memref<!tpu.dma_semaphore, #tpu.memory_space<semaphore_mem>>)
      %dma_wait3A_245 = arith.constant 0 : i32
      %dma_wait3A_246 = arith.constant 0 : i32
      %dma_wait3A_247 = tpu.memref_slice %arg6[%run_scoped3A_128, %dma_wait3A_245, %dma_wait3A_246] : memref<2x800x64xf32, #tpu.memory_space<vmem>> -> memref<1x800x64xf32, #tpu.memory_space<vmem>>
      %dma_wait3A_248 = tpu.memref_squeeze %dma_wait3A_247 : memref<1x800x64xf32, #tpu.memory_space<vmem>> -> memref<800x64xf32, #tpu.memory_space<vmem>>
      %dma_wait3A_249 = arith.constant 0 : i32
      %dma_wait3A_250 = tpu.memref_slice %arg4[%add3A_127, %dma_wait3A_249] : memref<204800x64xf32, #tpu.memory_space<hbm>> -> memref<800x64xf32, #tpu.memory_space<hbm>>
      %dma_wait3A_251 = arith.constant 0 : i32
      %dma_wait3A_252 = tpu.memref_slice %arg4[%add3A_127, %dma_wait3A_251] : memref<204800x64xf32, #tpu.memory_space<hbm>> -> memref<800x64xf32, #tpu.memory_space<hbm>>
      %dma_wait3A_253 = arith.constant 0 : i32
      %dma_wait3A_254 = arith.constant 0 : i32
      %dma_wait3A_255 = tpu.memref_slice %arg6[%run_scoped3A_128, %dma_wait3A_253, %dma_wait3A_254] : memref<2x800x64xf32, #tpu.memory_space<vmem>> -> memref<1x800x64xf32, #tpu.memory_space<vmem>>
      %dma_wait3A_256 = tpu.memref_squeeze %dma_wait3A_255 : memref<1x800x64xf32, #tpu.memory_space<vmem>> -> memref<800x64xf32, #tpu.memory_space<vmem>>
      tpu.wait_dma2 semaphore(%run_scoped3A_232 : memref<!tpu.dma_semaphore, #tpu.memory_space<semaphore_mem>>) src(%dma_wait3A_256 : memref<800x64xf32, #tpu.memory_space<vmem>>) dst(%dma_wait3A_252 : memref<800x64xf32, #tpu.memory_space<hbm>>)
      tpu.yield
    }) : () -> ()
    %dma_start3A_129 = arith.constant 1 : i32
    %dma_start3A_130 = arith.constant 1 : i32
    %dma_start3A_131 = arith.constant 0 : i32
    %dma_start3A_132 = arith.constant 0 : i32
    %dma_start3A_133 = tpu.memref_slice %arg6[%dma_start3A_129, %dma_start3A_131, %dma_start3A_132] : memref<2x800x64xf32, #tpu.memory_space<vmem>> -> memref<1x800x64xf32, #tpu.memory_space<vmem>>
    %dma_start3A_134 = tpu.memref_squeeze %dma_start3A_133 : memref<1x800x64xf32, #tpu.memory_space<vmem>> -> memref<800x64xf32, #tpu.memory_space<vmem>>
    %dma_start3A_135 = arith.constant 4000 : i32
    %dma_start3A_136 = tpu.memref_slice %arg5[%dma_start3A_135] : memref<6400xi32, #tpu.memory_space<vmem>> -> memref<800xi32, #tpu.memory_space<vmem>>
    %dma_start3A_137 = arith.constant 0 : i32
    %dma_start3A_138 = arith.constant 0 : i32
    %dma_start3A_139 = tpu.memref_slice %arg2[%dma_start3A_137, %dma_start3A_138] : memref<100000x64xf32, #tpu.memory_space<hbm>> -> memref<100000x64xf32, #tpu.memory_space<hbm>>
    %dma_start3A_140 = tpu.memref_slice %arg7[%dma_start3A_130] : memref<2x!tpu.dma_semaphore, #tpu.memory_space<semaphore_mem>> -> memref<1x!tpu.dma_semaphore, #tpu.memory_space<semaphore_mem>>
    %dma_start3A_141 = tpu.memref_squeeze %dma_start3A_140 : memref<1x!tpu.dma_semaphore, #tpu.memory_space<semaphore_mem>> -> memref<!tpu.dma_semaphore, #tpu.memory_space<semaphore_mem>>
    tpu.enqueue_indirect_dma source(%dma_start3A_139 : memref<100000x64xf32, #tpu.memory_space<hbm>>) target(%dma_start3A_134 : memref<800x64xf32, #tpu.memory_space<vmem>>) offsets(%dma_start3A_136 : memref<800xi32, #tpu.memory_space<vmem>>) semaphore(%dma_start3A_141 : memref<!tpu.dma_semaphore, #tpu.memory_space<semaphore_mem>>)
    %dma_wait3A_142 = arith.constant 0 : i32
    %dma_wait3A_143 = arith.constant 0 : i32
    %dma_wait3A_144 = arith.constant 0 : i32
    %dma_wait3A_145 = arith.constant 0 : i32
    %dma_wait3A_146 = tpu.memref_slice %arg6[%dma_wait3A_142, %dma_wait3A_144, %dma_wait3A_145] : memref<2x800x64xf32, #tpu.memory_space<vmem>> -> memref<1x800x64xf32, #tpu.memory_space<vmem>>
    %dma_wait3A_147 = tpu.memref_squeeze %dma_wait3A_146 : memref<1x800x64xf32, #tpu.memory_space<vmem>> -> memref<800x64xf32, #tpu.memory_space<vmem>>
    %dma_wait3A_148 = arith.constant 3200 : i32
    %dma_wait3A_149 = tpu.memref_slice %arg5[%dma_wait3A_148] : memref<6400xi32, #tpu.memory_space<vmem>> -> memref<800xi32, #tpu.memory_space<vmem>>
    %dma_wait3A_150 = arith.constant 0 : i32
    %dma_wait3A_151 = arith.constant 0 : i32
    %dma_wait3A_152 = tpu.memref_slice %arg2[%dma_wait3A_150, %dma_wait3A_151] : memref<100000x64xf32, #tpu.memory_space<hbm>> -> memref<100000x64xf32, #tpu.memory_space<hbm>>
    %dma_wait3A_153 = tpu.memref_slice %arg7[%dma_wait3A_143] : memref<2x!tpu.dma_semaphore, #tpu.memory_space<semaphore_mem>> -> memref<1x!tpu.dma_semaphore, #tpu.memory_space<semaphore_mem>>
    %dma_wait3A_154 = tpu.memref_squeeze %dma_wait3A_153 : memref<1x!tpu.dma_semaphore, #tpu.memory_space<semaphore_mem>> -> memref<!tpu.dma_semaphore, #tpu.memory_space<semaphore_mem>>
    tpu.wait_indirect_dma semaphore(%dma_wait3A_154 : memref<!tpu.dma_semaphore, #tpu.memory_space<semaphore_mem>>) src(%dma_wait3A_152 : memref<100000x64xf32, #tpu.memory_space<hbm>>) dst(%dma_wait3A_147 : memref<800x64xf32, #tpu.memory_space<vmem>>)
    %add3A_155 = arith.constant 3200 : i32
    %add3A_156 = arith.addi %mul3A_2, %add3A_155 : i32
    %run_scoped3A_157 = arith.constant 0 : i32
    "tpu.region"() ({
      %run_scoped3A_232 = tpu.sem_alloc : memref<!tpu.dma_semaphore, #tpu.memory_space<semaphore_mem>>
      %dma_start3A_233 = arith.constant 0 : i32
      %dma_start3A_234 = arith.constant 0 : i32
      %dma_start3A_235 = tpu.memref_slice %arg6[%run_scoped3A_157, %dma_start3A_233, %dma_start3A_234] : memref<2x800x64xf32, #tpu.memory_space<vmem>> -> memref<1x800x64xf32, #tpu.memory_space<vmem>>
      %dma_start3A_236 = tpu.memref_squeeze %dma_start3A_235 : memref<1x800x64xf32, #tpu.memory_space<vmem>> -> memref<800x64xf32, #tpu.memory_space<vmem>>
      %dma_start3A_237 = arith.constant 0 : i32
      %dma_start3A_238 = tpu.memref_slice %arg4[%add3A_156, %dma_start3A_237] : memref<204800x64xf32, #tpu.memory_space<hbm>> -> memref<800x64xf32, #tpu.memory_space<hbm>>
      %dma_start3A_239 = arith.constant 0 : i32
      %dma_start3A_240 = tpu.memref_slice %arg4[%add3A_156, %dma_start3A_239] : memref<204800x64xf32, #tpu.memory_space<hbm>> -> memref<800x64xf32, #tpu.memory_space<hbm>>
      %dma_start3A_241 = arith.constant 0 : i32
      %dma_start3A_242 = arith.constant 0 : i32
      %dma_start3A_243 = tpu.memref_slice %arg6[%run_scoped3A_157, %dma_start3A_241, %dma_start3A_242] : memref<2x800x64xf32, #tpu.memory_space<vmem>> -> memref<1x800x64xf32, #tpu.memory_space<vmem>>
      %dma_start3A_244 = tpu.memref_squeeze %dma_start3A_243 : memref<1x800x64xf32, #tpu.memory_space<vmem>> -> memref<800x64xf32, #tpu.memory_space<vmem>>
      tpu.enqueue_dma source(%dma_start3A_244 : memref<800x64xf32, #tpu.memory_space<vmem>>) target(%dma_start3A_240 : memref<800x64xf32, #tpu.memory_space<hbm>>) target_semaphore(%run_scoped3A_232 : memref<!tpu.dma_semaphore, #tpu.memory_space<semaphore_mem>>)
      %dma_wait3A_245 = arith.constant 0 : i32
      %dma_wait3A_246 = arith.constant 0 : i32
      %dma_wait3A_247 = tpu.memref_slice %arg6[%run_scoped3A_157, %dma_wait3A_245, %dma_wait3A_246] : memref<2x800x64xf32, #tpu.memory_space<vmem>> -> memref<1x800x64xf32, #tpu.memory_space<vmem>>
      %dma_wait3A_248 = tpu.memref_squeeze %dma_wait3A_247 : memref<1x800x64xf32, #tpu.memory_space<vmem>> -> memref<800x64xf32, #tpu.memory_space<vmem>>
      %dma_wait3A_249 = arith.constant 0 : i32
      %dma_wait3A_250 = tpu.memref_slice %arg4[%add3A_156, %dma_wait3A_249] : memref<204800x64xf32, #tpu.memory_space<hbm>> -> memref<800x64xf32, #tpu.memory_space<hbm>>
      %dma_wait3A_251 = arith.constant 0 : i32
      %dma_wait3A_252 = tpu.memref_slice %arg4[%add3A_156, %dma_wait3A_251] : memref<204800x64xf32, #tpu.memory_space<hbm>> -> memref<800x64xf32, #tpu.memory_space<hbm>>
      %dma_wait3A_253 = arith.constant 0 : i32
      %dma_wait3A_254 = arith.constant 0 : i32
      %dma_wait3A_255 = tpu.memref_slice %arg6[%run_scoped3A_157, %dma_wait3A_253, %dma_wait3A_254] : memref<2x800x64xf32, #tpu.memory_space<vmem>> -> memref<1x800x64xf32, #tpu.memory_space<vmem>>
      %dma_wait3A_256 = tpu.memref_squeeze %dma_wait3A_255 : memref<1x800x64xf32, #tpu.memory_space<vmem>> -> memref<800x64xf32, #tpu.memory_space<vmem>>
      tpu.wait_dma2 semaphore(%run_scoped3A_232 : memref<!tpu.dma_semaphore, #tpu.memory_space<semaphore_mem>>) src(%dma_wait3A_256 : memref<800x64xf32, #tpu.memory_space<vmem>>) dst(%dma_wait3A_252 : memref<800x64xf32, #tpu.memory_space<hbm>>)
      tpu.yield
    }) : () -> ()
    %dma_start3A_158 = arith.constant 0 : i32
    %dma_start3A_159 = arith.constant 0 : i32
    %dma_start3A_160 = arith.constant 0 : i32
    %dma_start3A_161 = arith.constant 0 : i32
    %dma_start3A_162 = tpu.memref_slice %arg6[%dma_start3A_158, %dma_start3A_160, %dma_start3A_161] : memref<2x800x64xf32, #tpu.memory_space<vmem>> -> memref<1x800x64xf32, #tpu.memory_space<vmem>>
    %dma_start3A_163 = tpu.memref_squeeze %dma_start3A_162 : memref<1x800x64xf32, #tpu.memory_space<vmem>> -> memref<800x64xf32, #tpu.memory_space<vmem>>
    %dma_start3A_164 = arith.constant 4800 : i32
    %dma_start3A_165 = tpu.memref_slice %arg5[%dma_start3A_164] : memref<6400xi32, #tpu.memory_space<vmem>> -> memref<800xi32, #tpu.memory_space<vmem>>
    %dma_start3A_166 = arith.constant 0 : i32
    %dma_start3A_167 = arith.constant 0 : i32
    %dma_start3A_168 = tpu.memref_slice %arg2[%dma_start3A_166, %dma_start3A_167] : memref<100000x64xf32, #tpu.memory_space<hbm>> -> memref<100000x64xf32, #tpu.memory_space<hbm>>
    %dma_start3A_169 = tpu.memref_slice %arg7[%dma_start3A_159] : memref<2x!tpu.dma_semaphore, #tpu.memory_space<semaphore_mem>> -> memref<1x!tpu.dma_semaphore, #tpu.memory_space<semaphore_mem>>
    %dma_start3A_170 = tpu.memref_squeeze %dma_start3A_169 : memref<1x!tpu.dma_semaphore, #tpu.memory_space<semaphore_mem>> -> memref<!tpu.dma_semaphore, #tpu.memory_space<semaphore_mem>>
    tpu.enqueue_indirect_dma source(%dma_start3A_168 : memref<100000x64xf32, #tpu.memory_space<hbm>>) target(%dma_start3A_163 : memref<800x64xf32, #tpu.memory_space<vmem>>) offsets(%dma_start3A_165 : memref<800xi32, #tpu.memory_space<vmem>>) semaphore(%dma_start3A_170 : memref<!tpu.dma_semaphore, #tpu.memory_space<semaphore_mem>>)
    %dma_wait3A_171 = arith.constant 1 : i32
    %dma_wait3A_172 = arith.constant 1 : i32
    %dma_wait3A_173 = arith.constant 0 : i32
    %dma_wait3A_174 = arith.constant 0 : i32
    %dma_wait3A_175 = tpu.memref_slice %arg6[%dma_wait3A_171, %dma_wait3A_173, %dma_wait3A_174] : memref<2x800x64xf32, #tpu.memory_space<vmem>> -> memref<1x800x64xf32, #tpu.memory_space<vmem>>
    %dma_wait3A_176 = tpu.memref_squeeze %dma_wait3A_175 : memref<1x800x64xf32, #tpu.memory_space<vmem>> -> memref<800x64xf32, #tpu.memory_space<vmem>>
    %dma_wait3A_177 = arith.constant 4000 : i32
    %dma_wait3A_178 = tpu.memref_slice %arg5[%dma_wait3A_177] : memref<6400xi32, #tpu.memory_space<vmem>> -> memref<800xi32, #tpu.memory_space<vmem>>
    %dma_wait3A_179 = arith.constant 0 : i32
    %dma_wait3A_180 = arith.constant 0 : i32
    %dma_wait3A_181 = tpu.memref_slice %arg2[%dma_wait3A_179, %dma_wait3A_180] : memref<100000x64xf32, #tpu.memory_space<hbm>> -> memref<100000x64xf32, #tpu.memory_space<hbm>>
    %dma_wait3A_182 = tpu.memref_slice %arg7[%dma_wait3A_172] : memref<2x!tpu.dma_semaphore, #tpu.memory_space<semaphore_mem>> -> memref<1x!tpu.dma_semaphore, #tpu.memory_space<semaphore_mem>>
    %dma_wait3A_183 = tpu.memref_squeeze %dma_wait3A_182 : memref<1x!tpu.dma_semaphore, #tpu.memory_space<semaphore_mem>> -> memref<!tpu.dma_semaphore, #tpu.memory_space<semaphore_mem>>
    tpu.wait_indirect_dma semaphore(%dma_wait3A_183 : memref<!tpu.dma_semaphore, #tpu.memory_space<semaphore_mem>>) src(%dma_wait3A_181 : memref<100000x64xf32, #tpu.memory_space<hbm>>) dst(%dma_wait3A_176 : memref<800x64xf32, #tpu.memory_space<vmem>>)
    %add3A_184 = arith.constant 4000 : i32
    %add3A_185 = arith.addi %mul3A_2, %add3A_184 : i32
    %run_scoped3A_186 = arith.constant 1 : i32
    "tpu.region"() ({
      %run_scoped3A_232 = tpu.sem_alloc : memref<!tpu.dma_semaphore, #tpu.memory_space<semaphore_mem>>
      %dma_start3A_233 = arith.constant 0 : i32
      %dma_start3A_234 = arith.constant 0 : i32
      %dma_start3A_235 = tpu.memref_slice %arg6[%run_scoped3A_186, %dma_start3A_233, %dma_start3A_234] : memref<2x800x64xf32, #tpu.memory_space<vmem>> -> memref<1x800x64xf32, #tpu.memory_space<vmem>>
      %dma_start3A_236 = tpu.memref_squeeze %dma_start3A_235 : memref<1x800x64xf32, #tpu.memory_space<vmem>> -> memref<800x64xf32, #tpu.memory_space<vmem>>
      %dma_start3A_237 = arith.constant 0 : i32
      %dma_start3A_238 = tpu.memref_slice %arg4[%add3A_185, %dma_start3A_237] : memref<204800x64xf32, #tpu.memory_space<hbm>> -> memref<800x64xf32, #tpu.memory_space<hbm>>
      %dma_start3A_239 = arith.constant 0 : i32
      %dma_start3A_240 = tpu.memref_slice %arg4[%add3A_185, %dma_start3A_239] : memref<204800x64xf32, #tpu.memory_space<hbm>> -> memref<800x64xf32, #tpu.memory_space<hbm>>
      %dma_start3A_241 = arith.constant 0 : i32
      %dma_start3A_242 = arith.constant 0 : i32
      %dma_start3A_243 = tpu.memref_slice %arg6[%run_scoped3A_186, %dma_start3A_241, %dma_start3A_242] : memref<2x800x64xf32, #tpu.memory_space<vmem>> -> memref<1x800x64xf32, #tpu.memory_space<vmem>>
      %dma_start3A_244 = tpu.memref_squeeze %dma_start3A_243 : memref<1x800x64xf32, #tpu.memory_space<vmem>> -> memref<800x64xf32, #tpu.memory_space<vmem>>
      tpu.enqueue_dma source(%dma_start3A_244 : memref<800x64xf32, #tpu.memory_space<vmem>>) target(%dma_start3A_240 : memref<800x64xf32, #tpu.memory_space<hbm>>) target_semaphore(%run_scoped3A_232 : memref<!tpu.dma_semaphore, #tpu.memory_space<semaphore_mem>>)
      %dma_wait3A_245 = arith.constant 0 : i32
      %dma_wait3A_246 = arith.constant 0 : i32
      %dma_wait3A_247 = tpu.memref_slice %arg6[%run_scoped3A_186, %dma_wait3A_245, %dma_wait3A_246] : memref<2x800x64xf32, #tpu.memory_space<vmem>> -> memref<1x800x64xf32, #tpu.memory_space<vmem>>
      %dma_wait3A_248 = tpu.memref_squeeze %dma_wait3A_247 : memref<1x800x64xf32, #tpu.memory_space<vmem>> -> memref<800x64xf32, #tpu.memory_space<vmem>>
      %dma_wait3A_249 = arith.constant 0 : i32
      %dma_wait3A_250 = tpu.memref_slice %arg4[%add3A_185, %dma_wait3A_249] : memref<204800x64xf32, #tpu.memory_space<hbm>> -> memref<800x64xf32, #tpu.memory_space<hbm>>
      %dma_wait3A_251 = arith.constant 0 : i32
      %dma_wait3A_252 = tpu.memref_slice %arg4[%add3A_185, %dma_wait3A_251] : memref<204800x64xf32, #tpu.memory_space<hbm>> -> memref<800x64xf32, #tpu.memory_space<hbm>>
      %dma_wait3A_253 = arith.constant 0 : i32
      %dma_wait3A_254 = arith.constant 0 : i32
      %dma_wait3A_255 = tpu.memref_slice %arg6[%run_scoped3A_186, %dma_wait3A_253, %dma_wait3A_254] : memref<2x800x64xf32, #tpu.memory_space<vmem>> -> memref<1x800x64xf32, #tpu.memory_space<vmem>>
      %dma_wait3A_256 = tpu.memref_squeeze %dma_wait3A_255 : memref<1x800x64xf32, #tpu.memory_space<vmem>> -> memref<800x64xf32, #tpu.memory_space<vmem>>
      tpu.wait_dma2 semaphore(%run_scoped3A_232 : memref<!tpu.dma_semaphore, #tpu.memory_space<semaphore_mem>>) src(%dma_wait3A_256 : memref<800x64xf32, #tpu.memory_space<vmem>>) dst(%dma_wait3A_252 : memref<800x64xf32, #tpu.memory_space<hbm>>)
      tpu.yield
    }) : () -> ()
    %dma_start3A_187 = arith.constant 1 : i32
    %dma_start3A_188 = arith.constant 1 : i32
    %dma_start3A_189 = arith.constant 0 : i32
    %dma_start3A_190 = arith.constant 0 : i32
    %dma_start3A_191 = tpu.memref_slice %arg6[%dma_start3A_187, %dma_start3A_189, %dma_start3A_190] : memref<2x800x64xf32, #tpu.memory_space<vmem>> -> memref<1x800x64xf32, #tpu.memory_space<vmem>>
    %dma_start3A_192 = tpu.memref_squeeze %dma_start3A_191 : memref<1x800x64xf32, #tpu.memory_space<vmem>> -> memref<800x64xf32, #tpu.memory_space<vmem>>
    %dma_start3A_193 = arith.constant 5600 : i32
    %dma_start3A_194 = tpu.memref_slice %arg5[%dma_start3A_193] : memref<6400xi32, #tpu.memory_space<vmem>> -> memref<800xi32, #tpu.memory_space<vmem>>
    %dma_start3A_195 = arith.constant 0 : i32
    %dma_start3A_196 = arith.constant 0 : i32
    %dma_start3A_197 = tpu.memref_slice %arg2[%dma_start3A_195, %dma_start3A_196] : memref<100000x64xf32, #tpu.memory_space<hbm>> -> memref<100000x64xf32, #tpu.memory_space<hbm>>
    %dma_start3A_198 = tpu.memref_slice %arg7[%dma_start3A_188] : memref<2x!tpu.dma_semaphore, #tpu.memory_space<semaphore_mem>> -> memref<1x!tpu.dma_semaphore, #tpu.memory_space<semaphore_mem>>
    %dma_start3A_199 = tpu.memref_squeeze %dma_start3A_198 : memref<1x!tpu.dma_semaphore, #tpu.memory_space<semaphore_mem>> -> memref<!tpu.dma_semaphore, #tpu.memory_space<semaphore_mem>>
    tpu.enqueue_indirect_dma source(%dma_start3A_197 : memref<100000x64xf32, #tpu.memory_space<hbm>>) target(%dma_start3A_192 : memref<800x64xf32, #tpu.memory_space<vmem>>) offsets(%dma_start3A_194 : memref<800xi32, #tpu.memory_space<vmem>>) semaphore(%dma_start3A_199 : memref<!tpu.dma_semaphore, #tpu.memory_space<semaphore_mem>>)
    %dma_wait3A_200 = arith.constant 0 : i32
    %dma_wait3A_201 = arith.constant 0 : i32
    %dma_wait3A_202 = arith.constant 0 : i32
    %dma_wait3A_203 = arith.constant 0 : i32
    %dma_wait3A_204 = tpu.memref_slice %arg6[%dma_wait3A_200, %dma_wait3A_202, %dma_wait3A_203] : memref<2x800x64xf32, #tpu.memory_space<vmem>> -> memref<1x800x64xf32, #tpu.memory_space<vmem>>
    %dma_wait3A_205 = tpu.memref_squeeze %dma_wait3A_204 : memref<1x800x64xf32, #tpu.memory_space<vmem>> -> memref<800x64xf32, #tpu.memory_space<vmem>>
    %dma_wait3A_206 = arith.constant 4800 : i32
    %dma_wait3A_207 = tpu.memref_slice %arg5[%dma_wait3A_206] : memref<6400xi32, #tpu.memory_space<vmem>> -> memref<800xi32, #tpu.memory_space<vmem>>
    %dma_wait3A_208 = arith.constant 0 : i32
    %dma_wait3A_209 = arith.constant 0 : i32
    %dma_wait3A_210 = tpu.memref_slice %arg2[%dma_wait3A_208, %dma_wait3A_209] : memref<100000x64xf32, #tpu.memory_space<hbm>> -> memref<100000x64xf32, #tpu.memory_space<hbm>>
    %dma_wait3A_211 = tpu.memref_slice %arg7[%dma_wait3A_201] : memref<2x!tpu.dma_semaphore, #tpu.memory_space<semaphore_mem>> -> memref<1x!tpu.dma_semaphore, #tpu.memory_space<semaphore_mem>>
    %dma_wait3A_212 = tpu.memref_squeeze %dma_wait3A_211 : memref<1x!tpu.dma_semaphore, #tpu.memory_space<semaphore_mem>> -> memref<!tpu.dma_semaphore, #tpu.memory_space<semaphore_mem>>
    tpu.wait_indirect_dma semaphore(%dma_wait3A_212 : memref<!tpu.dma_semaphore, #tpu.memory_space<semaphore_mem>>) src(%dma_wait3A_210 : memref<100000x64xf32, #tpu.memory_space<hbm>>) dst(%dma_wait3A_205 : memref<800x64xf32, #tpu.memory_space<vmem>>)
    %add3A_213 = arith.constant 4800 : i32
    %add3A_214 = arith.addi %mul3A_2, %add3A_213 : i32
    %run_scoped3A_215 = arith.constant 0 : i32
    "tpu.region"() ({
      %run_scoped3A_232 = tpu.sem_alloc : memref<!tpu.dma_semaphore, #tpu.memory_space<semaphore_mem>>
      %dma_start3A_233 = arith.constant 0 : i32
      %dma_start3A_234 = arith.constant 0 : i32
      %dma_start3A_235 = tpu.memref_slice %arg6[%run_scoped3A_215, %dma_start3A_233, %dma_start3A_234] : memref<2x800x64xf32, #tpu.memory_space<vmem>> -> memref<1x800x64xf32, #tpu.memory_space<vmem>>
      %dma_start3A_236 = tpu.memref_squeeze %dma_start3A_235 : memref<1x800x64xf32, #tpu.memory_space<vmem>> -> memref<800x64xf32, #tpu.memory_space<vmem>>
      %dma_start3A_237 = arith.constant 0 : i32
      %dma_start3A_238 = tpu.memref_slice %arg4[%add3A_214, %dma_start3A_237] : memref<204800x64xf32, #tpu.memory_space<hbm>> -> memref<800x64xf32, #tpu.memory_space<hbm>>
      %dma_start3A_239 = arith.constant 0 : i32
      %dma_start3A_240 = tpu.memref_slice %arg4[%add3A_214, %dma_start3A_239] : memref<204800x64xf32, #tpu.memory_space<hbm>> -> memref<800x64xf32, #tpu.memory_space<hbm>>
      %dma_start3A_241 = arith.constant 0 : i32
      %dma_start3A_242 = arith.constant 0 : i32
      %dma_start3A_243 = tpu.memref_slice %arg6[%run_scoped3A_215, %dma_start3A_241, %dma_start3A_242] : memref<2x800x64xf32, #tpu.memory_space<vmem>> -> memref<1x800x64xf32, #tpu.memory_space<vmem>>
      %dma_start3A_244 = tpu.memref_squeeze %dma_start3A_243 : memref<1x800x64xf32, #tpu.memory_space<vmem>> -> memref<800x64xf32, #tpu.memory_space<vmem>>
      tpu.enqueue_dma source(%dma_start3A_244 : memref<800x64xf32, #tpu.memory_space<vmem>>) target(%dma_start3A_240 : memref<800x64xf32, #tpu.memory_space<hbm>>) target_semaphore(%run_scoped3A_232 : memref<!tpu.dma_semaphore, #tpu.memory_space<semaphore_mem>>)
      %dma_wait3A_245 = arith.constant 0 : i32
      %dma_wait3A_246 = arith.constant 0 : i32
      %dma_wait3A_247 = tpu.memref_slice %arg6[%run_scoped3A_215, %dma_wait3A_245, %dma_wait3A_246] : memref<2x800x64xf32, #tpu.memory_space<vmem>> -> memref<1x800x64xf32, #tpu.memory_space<vmem>>
      %dma_wait3A_248 = tpu.memref_squeeze %dma_wait3A_247 : memref<1x800x64xf32, #tpu.memory_space<vmem>> -> memref<800x64xf32, #tpu.memory_space<vmem>>
      %dma_wait3A_249 = arith.constant 0 : i32
      %dma_wait3A_250 = tpu.memref_slice %arg4[%add3A_214, %dma_wait3A_249] : memref<204800x64xf32, #tpu.memory_space<hbm>> -> memref<800x64xf32, #tpu.memory_space<hbm>>
      %dma_wait3A_251 = arith.constant 0 : i32
      %dma_wait3A_252 = tpu.memref_slice %arg4[%add3A_214, %dma_wait3A_251] : memref<204800x64xf32, #tpu.memory_space<hbm>> -> memref<800x64xf32, #tpu.memory_space<hbm>>
      %dma_wait3A_253 = arith.constant 0 : i32
      %dma_wait3A_254 = arith.constant 0 : i32
      %dma_wait3A_255 = tpu.memref_slice %arg6[%run_scoped3A_215, %dma_wait3A_253, %dma_wait3A_254] : memref<2x800x64xf32, #tpu.memory_space<vmem>> -> memref<1x800x64xf32, #tpu.memory_space<vmem>>
      %dma_wait3A_256 = tpu.memref_squeeze %dma_wait3A_255 : memref<1x800x64xf32, #tpu.memory_space<vmem>> -> memref<800x64xf32, #tpu.memory_space<vmem>>
      tpu.wait_dma2 semaphore(%run_scoped3A_232 : memref<!tpu.dma_semaphore, #tpu.memory_space<semaphore_mem>>) src(%dma_wait3A_256 : memref<800x64xf32, #tpu.memory_space<vmem>>) dst(%dma_wait3A_252 : memref<800x64xf32, #tpu.memory_space<hbm>>)
      tpu.yield
    }) : () -> ()
    %dma_wait3A_216 = arith.constant 1 : i32
    %dma_wait3A_217 = arith.constant 1 : i32
    %dma_wait3A_218 = arith.constant 0 : i32
    %dma_wait3A_219 = arith.constant 0 : i32
    %dma_wait3A_220 = tpu.memref_slice %arg6[%dma_wait3A_216, %dma_wait3A_218, %dma_wait3A_219] : memref<2x800x64xf32, #tpu.memory_space<vmem>> -> memref<1x800x64xf32, #tpu.memory_space<vmem>>
    %dma_wait3A_221 = tpu.memref_squeeze %dma_wait3A_220 : memref<1x800x64xf32, #tpu.memory_space<vmem>> -> memref<800x64xf32, #tpu.memory_space<vmem>>
    %dma_wait3A_222 = arith.constant 5600 : i32
    %dma_wait3A_223 = tpu.memref_slice %arg5[%dma_wait3A_222] : memref<6400xi32, #tpu.memory_space<vmem>> -> memref<800xi32, #tpu.memory_space<vmem>>
    %dma_wait3A_224 = arith.constant 0 : i32
    %dma_wait3A_225 = arith.constant 0 : i32
    %dma_wait3A_226 = tpu.memref_slice %arg2[%dma_wait3A_224, %dma_wait3A_225] : memref<100000x64xf32, #tpu.memory_space<hbm>> -> memref<100000x64xf32, #tpu.memory_space<hbm>>
    %dma_wait3A_227 = tpu.memref_slice %arg7[%dma_wait3A_217] : memref<2x!tpu.dma_semaphore, #tpu.memory_space<semaphore_mem>> -> memref<1x!tpu.dma_semaphore, #tpu.memory_space<semaphore_mem>>
    %dma_wait3A_228 = tpu.memref_squeeze %dma_wait3A_227 : memref<1x!tpu.dma_semaphore, #tpu.memory_space<semaphore_mem>> -> memref<!tpu.dma_semaphore, #tpu.memory_space<semaphore_mem>>
    tpu.wait_indirect_dma semaphore(%dma_wait3A_228 : memref<!tpu.dma_semaphore, #tpu.memory_space<semaphore_mem>>) src(%dma_wait3A_226 : memref<100000x64xf32, #tpu.memory_space<hbm>>) dst(%dma_wait3A_221 : memref<800x64xf32, #tpu.memory_space<vmem>>)
    %add3A_229 = arith.constant 5600 : i32
    %add3A_230 = arith.addi %mul3A_2, %add3A_229 : i32
    %run_scoped3A_231 = arith.constant 1 : i32
    "tpu.region"() ({
      %run_scoped3A_232 = tpu.sem_alloc : memref<!tpu.dma_semaphore, #tpu.memory_space<semaphore_mem>>
      %dma_start3A_233 = arith.constant 0 : i32
      %dma_start3A_234 = arith.constant 0 : i32
      %dma_start3A_235 = tpu.memref_slice %arg6[%run_scoped3A_231, %dma_start3A_233, %dma_start3A_234] : memref<2x800x64xf32, #tpu.memory_space<vmem>> -> memref<1x800x64xf32, #tpu.memory_space<vmem>>
      %dma_start3A_236 = tpu.memref_squeeze %dma_start3A_235 : memref<1x800x64xf32, #tpu.memory_space<vmem>> -> memref<800x64xf32, #tpu.memory_space<vmem>>
      %dma_start3A_237 = arith.constant 0 : i32
      %dma_start3A_238 = tpu.memref_slice %arg4[%add3A_230, %dma_start3A_237] : memref<204800x64xf32, #tpu.memory_space<hbm>> -> memref<800x64xf32, #tpu.memory_space<hbm>>
      %dma_start3A_239 = arith.constant 0 : i32
      %dma_start3A_240 = tpu.memref_slice %arg4[%add3A_230, %dma_start3A_239] : memref<204800x64xf32, #tpu.memory_space<hbm>> -> memref<800x64xf32, #tpu.memory_space<hbm>>
      %dma_start3A_241 = arith.constant 0 : i32
      %dma_start3A_242 = arith.constant 0 : i32
      %dma_start3A_243 = tpu.memref_slice %arg6[%run_scoped3A_231, %dma_start3A_241, %dma_start3A_242] : memref<2x800x64xf32, #tpu.memory_space<vmem>> -> memref<1x800x64xf32, #tpu.memory_space<vmem>>
      %dma_start3A_244 = tpu.memref_squeeze %dma_start3A_243 : memref<1x800x64xf32, #tpu.memory_space<vmem>> -> memref<800x64xf32, #tpu.memory_space<vmem>>
      tpu.enqueue_dma source(%dma_start3A_244 : memref<800x64xf32, #tpu.memory_space<vmem>>) target(%dma_start3A_240 : memref<800x64xf32, #tpu.memory_space<hbm>>) target_semaphore(%run_scoped3A_232 : memref<!tpu.dma_semaphore, #tpu.memory_space<semaphore_mem>>)
      %dma_wait3A_245 = arith.constant 0 : i32
      %dma_wait3A_246 = arith.constant 0 : i32
      %dma_wait3A_247 = tpu.memref_slice %arg6[%run_scoped3A_231, %dma_wait3A_245, %dma_wait3A_246] : memref<2x800x64xf32, #tpu.memory_space<vmem>> -> memref<1x800x64xf32, #tpu.memory_space<vmem>>
      %dma_wait3A_248 = tpu.memref_squeeze %dma_wait3A_247 : memref<1x800x64xf32, #tpu.memory_space<vmem>> -> memref<800x64xf32, #tpu.memory_space<vmem>>
      %dma_wait3A_249 = arith.constant 0 : i32
      %dma_wait3A_250 = tpu.memref_slice %arg4[%add3A_230, %dma_wait3A_249] : memref<204800x64xf32, #tpu.memory_space<hbm>> -> memref<800x64xf32, #tpu.memory_space<hbm>>
      %dma_wait3A_251 = arith.constant 0 : i32
      %dma_wait3A_252 = tpu.memref_slice %arg4[%add3A_230, %dma_wait3A_251] : memref<204800x64xf32, #tpu.memory_space<hbm>> -> memref<800x64xf32, #tpu.memory_space<hbm>>
      %dma_wait3A_253 = arith.constant 0 : i32
      %dma_wait3A_254 = arith.constant 0 : i32
      %dma_wait3A_255 = tpu.memref_slice %arg6[%run_scoped3A_231, %dma_wait3A_253, %dma_wait3A_254] : memref<2x800x64xf32, #tpu.memory_space<vmem>> -> memref<1x800x64xf32, #tpu.memory_space<vmem>>
      %dma_wait3A_256 = tpu.memref_squeeze %dma_wait3A_255 : memref<1x800x64xf32, #tpu.memory_space<vmem>> -> memref<800x64xf32, #tpu.memory_space<vmem>>
      tpu.wait_dma2 semaphore(%run_scoped3A_232 : memref<!tpu.dma_semaphore, #tpu.memory_space<semaphore_mem>>) src(%dma_wait3A_256 : memref<800x64xf32, #tpu.memory_space<vmem>>) dst(%dma_wait3A_252 : memref<800x64xf32, #tpu.memory_space<hbm>>)
      tpu.yield
    }) : () -> ()
    return
  }
}

</mosaic_0001>

<sc_bundles>
// kernel: kernel.4.cloned.1.call-start
scs
__scs_entry_jumppad:
0x0: {  	(pc) =	sbr.rel $0x88, $3  }
0x1: {  	(tag) =	ssettag $0x0;
	lr =	simm.s32 $0x1  }
0x2: {  	[smem:$0x3F9D] =	sst lr;
	_ =	strace $0xD0000000  }
0x3: {  	_ = 	snop  }
0x4: {  	_ = 	snop  }
0x5: {  	_ = 	snop  }
0x6: {  	_ = 	snop  }
0x7: {  	_ = 	snop  }
__scs_overlays_trampoline_lowered:
0x8: {  	[smem:$0x3FAC] =	sst s0  }
0x9: {  	[smem:$0x3FAD] =	sst s1  }
0xa: {  	[smem:$0x3FAE] =	sst s2  }
0xb: {  	[smem:$0x3FAF] =	sst s3  }
0xc: {  	[smem:$0x3FB0] =	sst s4  }
0xd: {  	[smem:$0x3FB1] =	sst s5  }
0xe: {  	[smem:$0x3FB2] =	sst s6  }
0xf: {  	[smem:$0x3FB3] =	sst s7  }
0x10: {  	[smem:$0x3FB4] =	sst s8  }
0x11: {  	[smem:$0x3FB5] =	sst s9;
	s0 =	simm.s32 @!p0 $0x0  }
0x12: {  	s1 =	sld [smem:$0x3F9B];
	s0 =	simm.s32 @p0 $0x1  }
0x13: {  	[smem:$0x3FB6] =	sst s0;
	s0 =	simm.s32 @!p1 $0x0  }
0x14: {  	s2 =	sld [smem:$0x3F9A];
	s0 =	simm.s32 @p1 $0x1  }
0x15: {  	[smem:$0x3FB7] =	sst s0;
	s0 =	simm.s32 @!p2 $0x0  }
0x16: {  	s3 =	sld [smem:$0x3FDB];
	s0 =	simm.s32 @p2 $0x1  }
0x17: {  	s4 =	simm.s32 $0x1BF5;
	[smem:$0x3FB9] =	sst s0  }
0x18: {  	s0 =	sld [smem:$0x3F9C];
	_ =	swait.ge [sflag:s4], $0x0  }
0x19: {  	s7 =	sld [smem:$0x3F9D]  }
0x1a: {  	s8 =	sadd.s32 $0xFFFFE003, lr  }
0x1b: {  	s9 =	sadd.s32 $0xFFFFFEF7, lr;
	s5 =	simm.s32 $0xFFFFFFFF;
	p2 =	slt.u32 s8, $0xFFFFF086  }
0x1c: {  	p1 =	slt.u32 s9, $0xF7A;
	s5 =	simm.s32 @!p2 $0x0  }
0x1d: {  	s5 =	simm.s32 @p1 $0x1;
	p0 =	seq.s32 s7, s2  }
0x1e: {  	s7 =	smul.u32 @!p0 $0xF7A, s2;
	p2 =	seq.s32 @!p0 s5, $0x0  }
0x1f: {  	s9 =	smul.u32 $0xF7A, s1;
	s8 =	simm.s32 @!p0 $0x1BF5;
	p2 =	por !p2, p0  }
0x20: {  	[sflag:s8] =	ssyncset.s32 @!p0 $0xFFFFF086;
	s6 =	sadd.s32 @!p0 s3, s7;
	s7 =	simm.s32 @!p0 $0x108  }
0x21: {  	s3 =	sadd.s32 s3, s9;
	s6 =	sadd.s32 @!p0 $0x88, s6;
	s7 =	simm.s32 @p2 $0x1082  }
0x22: {  	[simem:s7], [sflag:s8] =	dma.local @!p0 [hbm:s6], $0xF7A  }
0x23: {  	s9 =	sor.u32 $0xD0000000, s2;
	s6 =	simm.s32 $0x108;
	_ =	swait.ge @!p0 [sflag:s8], $0x0  }
0x24: {  	s3 =	sadd.s32 $0x88, s3;
	s6 =	simm.s32 @!p1 $0x1082;
	[sflag:s4] =	ssyncset.s32 $0xFFFFF086  }
0x25: {  	[simem:s6], [sflag:s4] =	dma.local [hbm:s3], $0xF7A  }
0x26: {  	[smem:$0x3F9D] =	sst s1;
	(tag) =	ssettag s2;
	_ =	strace s9  }
0x27: {  	s1 =	sld [smem:$0x3FAD]  }
0x28: {  	s2 =	sld [smem:$0x3FAE]  }
0x29: {  	s4 =	sld [smem:$0x3FB0]  }
0x2a: {  	p0 =	seq.s32 s5, $0x0;
	s5 =	sld [smem:$0x3FB1]  }
0x2b: {  	s6 =	sld [smem:$0x3FB2]  }
0x2c: {  	s7 =	sld [smem:$0x3FB3]  }
0x2d: {  	s3 =	simm.s32 $0x108;
	s8 =	sld [smem:$0x3FB4]  }
0x2e: {  	s3 =	simm.s32 @!p0 $0x1082;
	s9 =	sld [smem:$0x3FB5]  }
0x2f: {  	lr =	sadd.s32 s0, s3;
	s0 =	sld [smem:$0x3FAC]  }
0x30: {  	s3 =	sld [smem:$0x3FAF]  }
0x31: {  	[smem:$0x3FB8] =	sst s10  }
0x32: {  	s10 =	sld [smem:$0x3FB6];
	_ =	sdelay $0x3  }
0x33: {  	p0 =	seq.s32 s10, $0x1;
	s10 =	sld [smem:$0x3FB8];
	_ =	sdelay $0x3  }
0x34: {  	[smem:$0x3FB8] =	sst s10  }
0x35: {  	s10 =	sld [smem:$0x3FB7];
	_ =	sdelay $0x3  }
0x36: {  	p1 =	seq.s32 s10, $0x1;
	s10 =	sld [smem:$0x3FB8];
	_ =	sdelay $0x3  }
0x37: {  	[smem:$0x3FB8] =	sst s10  }
0x38: {  	s10 =	sld [smem:$0x3FB9]  }
0x39: {  	_ = 	snop;
	(pc) =	sbr.ind lr, $3  }
0x3a: {  	_ = 	snop  }
0x3b: {  	_ = 	snop  }
0x3c: {  	p2 =	seq.s32 s10, $0x1;
	s10 =	sld [smem:$0x3FB8]  }
0x3d: {  	_ =	shalt  }
0x3e: {  	_ =	shalt  }
0x3f: {  	_ =	shalt  }
0x40: {  	_ =	shalt  }
0x41: {  	_ =	shalt  }
0x42: {  	_ =	shalt  }
0x43: {  	_ =	shalt  }
0x44: {  	_ =	shalt  }
0x45: {  	_ =	shalt  }
0x46: {  	_ =	shalt  }
0x47: {  	_ =	shalt  }
0x48: {  	_ =	shalt  }
0x49: {  	_ =	shalt  }
0x4a: {  	_ =	shalt  }
0x4b: {  	_ =	shalt  }
0x4c: {  	_ =	shalt  }
0x4d: {  	_ =	shalt  }
0x4e: {  	_ =	shalt  }
0x4f: {  	_ =	shalt  }
0x50: {  	_ =	shalt  }
0x51: {  	_ =	shalt  }
0x52: {  	_ =	shalt  }
0x53: {  	_ =	shalt  }
0x54: {  	_ =	shalt  }
0x55: {  	_ =	shalt  }
0x56: {  	_ =	shalt  }
0x57: {  	_ =	shalt  }
0x58: {  	_ =	shalt  }
0x59: {  	_ =	shalt  }
0x5a: {  	_ =	shalt  }
0x5b: {  	_ =	shalt  }
0x5c: {  	_ =	shalt  }
0x5d: {  	_ =	shalt  }
0x5e: {  	_ =	shalt  }
0x5f: {  	_ =	shalt  }
0x60: {  	_ =	shalt  }
0x61: {  	_ =	shalt  }
0x62: {  	_ =	shalt  }
0x63: {  	_ =	shalt  }
0x64: {  	_ =	shalt  }
0x65: {  	_ =	shalt  }
0x66: {  	_ =	shalt  }
0x67: {  	_ =	shalt  }
0x68: {  	_ =	shalt  }
0x69: {  	_ =	shalt  }
0x6a: {  	_ =	shalt  }
0x6b: {  	_ =	shalt  }
0x6c: {  	_ =	shalt  }
0x6d: {  	_ =	shalt  }
0x6e: {  	_ =	shalt  }
0x6f: {  	_ =	shalt  }
0x70: {  	_ =	shalt  }
0x71: {  	_ =	shalt  }
0x72: {  	_ =	shalt  }
0x73: {  	_ =	shalt  }
0x74: {  	_ =	shalt  }
0x75: {  	_ =	shalt  }
0x76: {  	_ =	shalt  }
0x77: {  	_ =	shalt  }
0x78: {  	_ =	shalt  }
0x79: {  	_ =	shalt  }
0x7a: {  	_ =	shalt  }
0x7b: {  	_ =	shalt  }
0x7c: {  	_ =	shalt  }
0x7d: {  	_ =	shalt  }
0x7e: {  	_ =	shalt  }
0x7f: {  	_ =	shalt  }
0x80: {  	_ =	shalt  }
0x81: {  	_ =	shalt  }
0x82: {  	_ =	shalt  }
0x83: {  	_ =	shalt  }
0x84: {  	_ =	shalt  }
0x85: {  	_ =	shalt  }
0x86: {  	_ =	shalt  }
0x87: {  	_ =	shalt  }
.Lfunc_end0:
.L_simem_size_0:
called_computation.2_lowered:
.L_overlay_start_0:
0x88: {  	s2 =	sld [smem:$0x3FD9]  }
0x89: {  	s3 =	sld [smem:$0x3FFE];
	_ =	sdelay $0x1  }
0x8a: {  	s1 =	srdreg.scid  }
0x8b: {  	s0 =	sand.u32 $0x1, s1  }
0x8c: {  	s14 =	sshll.u32 s0, $0xA;
	s2 =	sadd.s32 s3, s2  }
0x8d: {  	s2 =	sadd.s32 s2, s14  }
0x8e: {  	[smem:$0x3FC4] =	sst s2  }
0x8f: {  	_ = 	snop  }
0x90: {  	s2 =	sld [smem:$0x3FD0];
	_ =	sdelay $0x2  }
0x91: {  	s15 =	simm.s32 $0xB;
	s4 =	simm.s32 $0x10  }
0x92: {  	[smem:s4], [sflag:s15] =	dma.local [hbm:s2], $0x1  }
0x93: {  	_ =	swait.eq [sflag:s15], $0x1  }
0x94: {  	[sflag:s15] =	ssyncset.done $0x0  }
0x95: {  	[sflag:s15] =	ssyncadd.s32 $0xFFFFFFFF  }
0x96: {  	s16 =	sld [smem:$0x10];
	(tm) =	ssettm $0x1  }
0x97: {  	s17 =	sld [smem:$0x3FFB];
	_ =	sdelay $0x3  }
0x98: {  	_ =	strace s17  }
0x99: {  	s3 =	sld [smem:$0x3FFC];
	_ =	sdelay $0x3  }
0x9a: {  	_ =	strace s3  }
0x9b: {  	s3 =	sld [smem:$0x3FFD];
	_ =	sdelay $0x3  }
0x9c: {  	_ =	strace s3  }
0x9d: {  	_ =	strace $0x8FFFFFFF  }
0x9e: {  	s18 =	sld [smem:$0x3FDB];
	_ =	sdelay $0x1  }
0x9f: {  	s19 =	simm.s32 $_scs_section_size  }
0xa0: {  	s5 =	simm.s32 $_size__tile_overlayer_lowered;
	s6 =	simm.s32 $_tile_overlayer_lowered  }
0xa1: {  	s22 =	simm.s32 $0x1BFF;
	s21 =	sshll.u32 s6, $0x1;
	s3 =	sadd.s32 s19, s18  }
0xa2: {  	s7 =	simm.s32 $0x0;
	s20 =	sshll.u32 s5, $0x1;
	s5 =	sadd.s32 s21, s3  }
0xa3: {  	[timem:s7], [sflag:s22] =	dma.local [hbm:s5], s20  }
0xa4: {  	_ =	swait.ge [sflag:s22], s20  }
0xa5: {  	s4 =	ssub.s32 $0x0, s20;
	[sflag:s22] =	ssyncset.done $0x0  }
0xa6: {  	[sflag:s22] =	ssyncadd.s32 s4;
	_ =	sdelay $0x1  }
0xa7: {  	s23 =	simm.s32 $0x1B8B  }
0xa8: {  	_ =	swait.ge [sflag:s23], $0x1  }
0xa9: {  	[sflag:s23] =	ssyncset.done $0x0  }
0xaa: {  	s25 =	simm.s32 $0x1B8E;
	s24 =	sld [smem:$0x3FFE];
	[sflag:s23] =	ssyncadd.s32 $0xFFFFFFFF  }
0xab: {  	s26 =	simm.s32 $execute0_lowered;
	[smem:$0x3FD2] =	sst s25  }
0xac: {  	s5 =	sshll.u32 s26, $0x1;
	_ =	strace $0x80000046;
	[dreg:$0x1] =	wrdreg $0xFFFFFFFF  }
0xad: {  	s28 =	simm.s32 $_size_execute0_lowered;
	s3 =	sadd.s32 s3, s5;
	[dreg:$0x0] =	wrdreg $0x0  }
0xae: {  	s5 =	sshll.u32 s28, $0x1;
	[dreg:$0x2] =	wrdreg s3  }
0xaf: {  	[dreg:$0x3] =	wrdreg s5  }
0xb0: {  	[dreg:$0x4] =	wrdreg $0xC0  }
0xb1: {  	_ =	task [dreg:s7], $0x5FFFF  }
0xb2: {  	[dreg:$0x1] =	wrdreg $0xFFFFFFFF  }
0xb3: {  	[dreg:$0x0] =	wrdreg $0x60  }
0xb4: {  	[dreg:$0x2] =	wrdreg s24  }
0xb5: {  	[dreg:$0x3] =	wrdreg s16  }
0xb6: {  	[dreg:$0x4] =	wrdreg $0x9  }
0xb7: {  	_ =	task.clear_ibuf [dreg:s7], $0x5FFFF;
	_ =	strace $0x90000046  }
0xb8: {  	s29 =	simm.s32 $0x9;
	_ =	strace $0x80000048  }
0xb9: {  	_ =	swait.ge [sflag:s29], $0x1  }
0xba: {  	[sflag:s29] =	ssyncadd.s32 $0xFFFFFFFF  }
0xbb: {  	_ =	strace $0x90000048  }
0xbc: {  	_ =	sfence  }
0xbd: {  	s30 =	sld [smem:$0x0];
	_ =	sdelay $0x2  }
0xbe: {  	s31 =	sshll.u32 s1, $0xD;
	s1 =	sshrl.u32 s1, $0x2  }
0xbf: {  	s3 =	sand.u32 $0x4000, s31;
	s1 =	sadd.s32 s1, s30  }
0xc0: {  	s0 =	sor.u32 s3, s0;
	s1 =	sshll.u32 s1, $0x11  }
0xc1: {  	s0 =	sor.u32 s1, s0  }
0xc2: {  	s0 =	sadd.s32 $0x8F2B, s0  }
0xc3: {  	[sflag:s0] =	ssyncadd.remote.s32 $0x1  }
0xc4: {  	_ =	sfence.sel $0xFFFF  }
0xc5: {  	[dreg:$0x0] =	wrdreg $0xFFFFFFFF;
	(pc) =	sbr.abs _section_cstart, $3  }
0xc6: {  	[dreg:$0x1] =	wrdreg $0xFFFFFFFF  }
0xc7: {  	_ =	task.clear_ibuf [dreg:s7], $0x2FFFF;
	_ =	strace $0x9FFFFFFF  }
0xc8: {  	(tm) =	ssettm $0x7FFFFFFF  }
0xc9: {  	_ =	shalt  }
tec
execute0_lowered:
.L_overlay_start_1:
0x0: {  	(tag) =	ssettag $0x1  }
0x1: {  	s1 =	srdreg.scid;
	s0 =	stileid.u32  }
0x2: {  	s24 =	sand.u32 $0x1, s1;
	s30 =	sshll.u32 s0, $0x1  }
0x3: {  	s5 =	rddreg [dreg:$0x0];
	s11 =	sor.u32 s24, s30  }
0x4: {  	s13 =	rddreg [dreg:$0x1];
	s3 =	smul.u32 $0x320, s11  }
0x5: {  	s2 =	simm.s32 $0x0;
	s1 =	rddreg [dreg:$0x2]  }
0x6: {  	[smem:$0x7FF] =	sst s2;
	s3 =	sadd.s32 s3, s5  }
0x7: {  	_ =	strace $0x80000047;
	s4 =	sadd.s32 $0x1600, s3;
	s3 =	simm.s32 $0x3  }
0x8: {  	[tilespmem:s2], [sflag:$0x3] =	stream.linear.gather [hbm4b:s4+s2], $0x1900, $0x38;
	[tilespmem:$0x1A900] =	vst v63  }
0x9: {  	_ =	swait.ge [sflag:s3], $0x1900  }
0xa: {  	s6 =	simm.s32 $0x320;
	[sflag:s3] =	ssyncset.done $0x0  }
0xb: {  	s7 =	simm.s32 $0x1900;
	s5 =	sadd.s32 $0xF43A00, s5;
	[sflag:s3] =	ssyncadd.s32 $0xFFFFE700  }
0xc: {  	[tilespmem:s7], [sflag:$0x1] =	stream.indirect.gather [hbm4b:s5+s6], $0x40, s2, s6, $0xb8;
	[tilespmem:$0x1A900] =	vst v63  }
0xd: {  	s8 =	simm.s32 $0xE100;
	s9 =	simm.s32 $0x1  }
0xe: {  	[tilespmem:s8], [sflag:$0x2] =	stream.indirect.gather [hbm4b:s5+s6], $0x40, s6, s6, $0xb8;
	[tilespmem:$0x1A900] =	vst v63  }
0xf: {  	s10 =	smul.u32 $0xC800, s11;
	_ =	swait.ge [sflag:s9], $0xC800  }
0x10: {  	[sflag:s9] =	ssyncset.done $0x0  }
0x11: {  	s10 =	sadd.s32 s13, s10;
	[sflag:s9] =	ssyncadd.s32 $0xFFFF3800  }
0x12: {  	[hbm4b:s10+s2] =	stream.linear.scatter [tilespmem:s7], [sflag:$0x3], $0xC800, $0x38;
	[tilespmem:$0x1A900] =	vst v63  }
0x13: {  	_ =	swait.ge [sflag:s3], $0xC800  }
0x14: {  	s12 =	simm.s32 $0x2;
	[sflag:s3] =	ssyncset.done $0x0  }
0x15: {  	s14 =	smul.u32 $0x64000, s11;
	s11 =	simm.s32 $0x640;
	[sflag:s3] =	ssyncadd.s32 $0xFFFF3800  }
0x16: {  	[tilespmem:s7], [sflag:$0x1] =	stream.indirect.gather [hbm4b:s5+s6], $0x40, s11, s6, $0xb8;
	[tilespmem:$0x1A900] =	vst v63  }
0x17: {  	s14 =	sshrl.u32 s14, $0x3;
	_ =	swait.ge [sflag:s12], $0xC800  }
0x18: {  	s25 =	sadd.s32 s13, s14;
	[sflag:s12] =	ssyncset.done $0x0  }
0x19: {  	s13 =	sadd.s32 $0x1900, s25;
	[sflag:s12] =	ssyncadd.s32 $0xFFFF3800  }
0x1a: {  	[hbm4b:s13+s2] =	stream.linear.scatter [tilespmem:s8], [sflag:$0x3], $0xC800, $0x38;
	[tilespmem:$0x1A900] =	vst v63  }
0x1b: {  	_ =	swait.ge [sflag:s3], $0xC800  }
0x1c: {  	[sflag:s3] =	ssyncset.done $0x0  }
0x1d: {  	s14 =	simm.s32 $0x960;
	[sflag:s3] =	ssyncadd.s32 $0xFFFF3800  }
0x1e: {  	[tilespmem:s8], [sflag:$0x2] =	stream.indirect.gather [hbm4b:s5+s6], $0x40, s14, s6, $0xb8;
	[tilespmem:$0x1A900] =	vst v63  }
0x1f: {  	_ =	swait.ge [sflag:s9], $0xC800  }
0x20: {  	[sflag:s9] =	ssyncset.done $0x0  }
0x21: {  	s15 =	sadd.s32 $0x3200, s25;
	[sflag:s9] =	ssyncadd.s32 $0xFFFF3800  }
0x22: {  	[hbm4b:s15+s2] =	stream.linear.scatter [tilespmem:s7], [sflag:$0x3], $0xC800, $0x38;
	[tilespmem:$0x1A900] =	vst v63  }
0x23: {  	_ =	swait.ge [sflag:s3], $0xC800  }
0x24: {  	[sflag:s3] =	ssyncset.done $0x0  }
0x25: {  	s16 =	simm.s32 $0xC80;
	[sflag:s3] =	ssyncadd.s32 $0xFFFF3800  }
0x26: {  	[tilespmem:s7], [sflag:$0x1] =	stream.indirect.gather [hbm4b:s5+s6], $0x40, s16, s6, $0xb8;
	[tilespmem:$0x1A900] =	vst v63  }
0x27: {  	_ =	swait.ge [sflag:s12], $0xC800  }
0x28: {  	[sflag:s12] =	ssyncset.done $0x0  }
0x29: {  	s17 =	sadd.s32 $0x4B00, s25;
	[sflag:s12] =	ssyncadd.s32 $0xFFFF3800  }
0x2a: {  	[hbm4b:s17+s2] =	stream.linear.scatter [tilespmem:s8], [sflag:$0x3], $0xC800, $0x38;
	[tilespmem:$0x1A900] =	vst v63  }
0x2b: {  	_ =	swait.ge [sflag:s3], $0xC800  }
0x2c: {  	[sflag:s3] =	ssyncset.done $0x0  }
0x2d: {  	s18 =	simm.s32 $0xFA0;
	[sflag:s3] =	ssyncadd.s32 $0xFFFF3800  }
0x2e: {  	[tilespmem:s8], [sflag:$0x2] =	stream.indirect.gather [hbm4b:s5+s6], $0x40, s18, s6, $0xb8;
	[tilespmem:$0x1A900] =	vst v63  }
0x2f: {  	_ =	swait.ge [sflag:s9], $0xC800  }
0x30: {  	[sflag:s9] =	ssyncset.done $0x0  }
0x31: {  	s19 =	sadd.s32 $0x6400, s25;
	[sflag:s9] =	ssyncadd.s32 $0xFFFF3800  }
0x32: {  	[hbm4b:s19+s2] =	stream.linear.scatter [tilespmem:s7], [sflag:$0x3], $0xC800, $0x38;
	[tilespmem:$0x1A900] =	vst v63  }
0x33: {  	_ =	swait.ge [sflag:s3], $0xC800  }
0x34: {  	[sflag:s3] =	ssyncset.done $0x0  }
0x35: {  	s20 =	simm.s32 $0x12C0;
	[sflag:s3] =	ssyncadd.s32 $0xFFFF3800  }
0x36: {  	[tilespmem:s7], [sflag:$0x1] =	stream.indirect.gather [hbm4b:s5+s6], $0x40, s20, s6, $0xb8;
	[tilespmem:$0x1A900] =	vst v63  }
0x37: {  	_ =	swait.ge [sflag:s12], $0xC800  }
0x38: {  	[sflag:s12] =	ssyncset.done $0x0  }
0x39: {  	s21 =	sadd.s32 $0x7D00, s25;
	[sflag:s12] =	ssyncadd.s32 $0xFFFF3800  }
0x3a: {  	[hbm4b:s21+s2] =	stream.linear.scatter [tilespmem:s8], [sflag:$0x3], $0xC800, $0x38;
	[tilespmem:$0x1A900] =	vst v63  }
0x3b: {  	_ =	swait.ge [sflag:s3], $0xC800  }
0x3c: {  	[sflag:s3] =	ssyncset.done $0x0  }
0x3d: {  	s22 =	simm.s32 $0x15E0;
	[sflag:s3] =	ssyncadd.s32 $0xFFFF3800  }
0x3e: {  	[tilespmem:s8], [sflag:$0x2] =	stream.indirect.gather [hbm4b:s5+s6], $0x40, s22, s6, $0xb8;
	[tilespmem:$0x1A900] =	vst v63  }
0x3f: {  	_ =	swait.ge [sflag:s9], $0xC800  }
0x40: {  	[sflag:s9] =	ssyncset.done $0x0  }
0x41: {  	s24 =	ssub.s32 $0x2, s24;
	s23 =	sadd.s32 $0x9600, s25;
	[sflag:s9] =	ssyncadd.s32 $0xFFFF3800  }
0x42: {  	[hbm4b:s23+s2] =	stream.linear.scatter [tilespmem:s7], [sflag:$0x3], $0xC800, $0x38;
	[tilespmem:$0x1A900] =	vst v63  }
0x43: {  	s26 =	sshrl.u32 s24, $0x1;
	_ =	swait.ge [sflag:s3], $0xC800  }
0x44: {  	s26 =	ssub.s32 s24, s26;
	[sflag:s3] =	ssyncset.done $0x0  }
0x45: {  	s31 =	smax.u32 s26, $0x1;
	[sflag:s3] =	ssyncadd.s32 $0xFFFF3800  }
0x46: {  	p0 =	sne.s32 s31, $0x1;
	_ =	swait.ge [sflag:s12], $0xC800  }
.Ltmp0:
0x47: {  	[sflag:s12] =	ssyncset.done $0x0;
	(pc) =	sbr.rel @!p0 .LBB2_2-.Ltmp0, $4  }
0x48: {  	s24 =	sadd.s32 $0xAF00, s25;
	[sflag:s12] =	ssyncadd.s32 $0xFFFF3800  }
0x49: {  	[hbm4b:s24+s2] =	stream.linear.scatter [tilespmem:s8], [sflag:$0x3], $0xC800, $0x38;
	[tilespmem:$0x1A900] =	vst v63  }
0x4a: {  	_ =	swait.ge [sflag:s3], $0xC800  }
0x4b: {  	s25 =	sadd.s32 $0xFFFFFFFF, s31;
	[sflag:s3] =	ssyncset.done $0x0  }
.LBB2_1:
0x4c: {  	p0 =	sne.s32 s25, $0x1;
	s25 =	sadd.s32 $0xFFFFFFFF, s25;
	[sflag:s3] =	ssyncadd.s32 $0xFFFF3800  }
0x4d: {  	[tilespmem:s2], [sflag:$0x3] =	stream.linear.gather [hbm4b:s4+s2], $0x1900, $0x38;
	[tilespmem:$0x1A900] =	vst v63  }
0x4e: {  	_ =	swait.ge [sflag:s3], $0x1900  }
0x4f: {  	[sflag:s3] =	ssyncset.done $0x0  }
0x50: {  	[sflag:s3] =	ssyncadd.s32 $0xFFFFE700  }
0x51: {  	[tilespmem:s7], [sflag:$0x1] =	stream.indirect.gather [hbm4b:s5+s6], $0x40, s2, s6, $0xb8;
	[tilespmem:$0x1A900] =	vst v63  }
0x52: {  	_ = 	snop  }
0x53: {  	[tilespmem:s8], [sflag:$0x2] =	stream.indirect.gather [hbm4b:s5+s6], $0x40, s6, s6, $0xb8;
	[tilespmem:$0x1A900] =	vst v63  }
0x54: {  	_ =	swait.ge [sflag:s9], $0xC800  }
0x55: {  	[sflag:s9] =	ssyncset.done $0x0  }
0x56: {  	[sflag:s9] =	ssyncadd.s32 $0xFFFF3800  }
0x57: {  	[hbm4b:s10+s2] =	stream.linear.scatter [tilespmem:s7], [sflag:$0x3], $0xC800, $0x38;
	[tilespmem:$0x1A900] =	vst v63  }
0x58: {  	_ =	swait.ge [sflag:s3], $0xC800  }
0x59: {  	[sflag:s3] =	ssyncset.done $0x0  }
0x5a: {  	[sflag:s3] =	ssyncadd.s32 $0xFFFF3800  }
0x5b: {  	[tilespmem:s7], [sflag:$0x1] =	stream.indirect.gather [hbm4b:s5+s6], $0x40, s11, s6, $0xb8;
	[tilespmem:$0x1A900] =	vst v63  }
0x5c: {  	_ =	swait.ge [sflag:s12], $0xC800  }
0x5d: {  	[sflag:s12] =	ssyncset.done $0x0  }
0x5e: {  	[sflag:s12] =	ssyncadd.s32 $0xFFFF3800  }
0x5f: {  	[hbm4b:s13+s2] =	stream.linear.scatter [tilespmem:s8], [sflag:$0x3], $0xC800, $0x38;
	[tilespmem:$0x1A900] =	vst v63  }
0x60: {  	_ =	swait.ge [sflag:s3], $0xC800  }
0x61: {  	[sflag:s3] =	ssyncset.done $0x0  }
0x62: {  	[sflag:s3] =	ssyncadd.s32 $0xFFFF3800  }
0x63: {  	[tilespmem:s8], [sflag:$0x2] =	stream.indirect.gather [hbm4b:s5+s6], $0x40, s14, s6, $0xb8;
	[tilespmem:$0x1A900] =	vst v63  }
0x64: {  	_ =	swait.ge [sflag:s9], $0xC800  }
0x65: {  	[sflag:s9] =	ssyncset.done $0x0  }
0x66: {  	[sflag:s9] =	ssyncadd.s32 $0xFFFF3800  }
0x67: {  	[hbm4b:s15+s2] =	stream.linear.scatter [tilespmem:s7], [sflag:$0x3], $0xC800, $0x38;
	[tilespmem:$0x1A900] =	vst v63  }
0x68: {  	_ =	swait.ge [sflag:s3], $0xC800  }
0x69: {  	[sflag:s3] =	ssyncset.done $0x0  }
0x6a: {  	[sflag:s3] =	ssyncadd.s32 $0xFFFF3800  }
0x6b: {  	[tilespmem:s7], [sflag:$0x1] =	stream.indirect.gather [hbm4b:s5+s6], $0x40, s16, s6, $0xb8;
	[tilespmem:$0x1A900] =	vst v63  }
0x6c: {  	_ =	swait.ge [sflag:s12], $0xC800  }
0x6d: {  	[sflag:s12] =	ssyncset.done $0x0  }
0x6e: {  	[sflag:s12] =	ssyncadd.s32 $0xFFFF3800  }
0x6f: {  	[hbm4b:s17+s2] =	stream.linear.scatter [tilespmem:s8], [sflag:$0x3], $0xC800, $0x38;
	[tilespmem:$0x1A900] =	vst v63  }
0x70: {  	_ =	swait.ge [sflag:s3], $0xC800  }
0x71: {  	[sflag:s3] =	ssyncset.done $0x0  }
0x72: {  	[sflag:s3] =	ssyncadd.s32 $0xFFFF3800  }
0x73: {  	[tilespmem:s8], [sflag:$0x2] =	stream.indirect.gather [hbm4b:s5+s6], $0x40, s18, s6, $0xb8;
	[tilespmem:$0x1A900] =	vst v63  }
0x74: {  	_ =	swait.ge [sflag:s9], $0xC800  }
0x75: {  	[sflag:s9] =	ssyncset.done $0x0  }
0x76: {  	[sflag:s9] =	ssyncadd.s32 $0xFFFF3800  }
0x77: {  	[hbm4b:s19+s2] =	stream.linear.scatter [tilespmem:s7], [sflag:$0x3], $0xC800, $0x38;
	[tilespmem:$0x1A900] =	vst v63  }
0x78: {  	_ =	swait.ge [sflag:s3], $0xC800  }
0x79: {  	[sflag:s3] =	ssyncset.done $0x0  }
0x7a: {  	[sflag:s3] =	ssyncadd.s32 $0xFFFF3800  }
0x7b: {  	[tilespmem:s7], [sflag:$0x1] =	stream.indirect.gather [hbm4b:s5+s6], $0x40, s20, s6, $0xb8;
	[tilespmem:$0x1A900] =	vst v63  }
0x7c: {  	_ =	swait.ge [sflag:s12], $0xC800  }
0x7d: {  	[sflag:s12] =	ssyncset.done $0x0  }
0x7e: {  	[sflag:s12] =	ssyncadd.s32 $0xFFFF3800  }
0x7f: {  	[hbm4b:s21+s2] =	stream.linear.scatter [tilespmem:s8], [sflag:$0x3], $0xC800, $0x38;
	[tilespmem:$0x1A900] =	vst v63  }
0x80: {  	_ =	swait.ge [sflag:s3], $0xC800  }
0x81: {  	[sflag:s3] =	ssyncset.done $0x0  }
0x82: {  	[sflag:s3] =	ssyncadd.s32 $0xFFFF3800  }
0x83: {  	[tilespmem:s8], [sflag:$0x2] =	stream.indirect.gather [hbm4b:s5+s6], $0x40, s22, s6, $0xb8;
	[tilespmem:$0x1A900] =	vst v63  }
0x84: {  	_ =	swait.ge [sflag:s9], $0xC800  }
0x85: {  	[sflag:s9] =	ssyncset.done $0x0  }
0x86: {  	[sflag:s9] =	ssyncadd.s32 $0xFFFF3800  }
0x87: {  	[hbm4b:s23+s2] =	stream.linear.scatter [tilespmem:s7], [sflag:$0x3], $0xC800, $0x38;
	[tilespmem:$0x1A900] =	vst v63  }
0x88: {  	_ =	swait.ge [sflag:s3], $0xC800  }
0x89: {  	[sflag:s3] =	ssyncset.done $0x0  }
0x8a: {  	[sflag:s3] =	ssyncadd.s32 $0xFFFF3800  }
0x8b: {  	_ =	swait.ge [sflag:s12], $0xC800  }
.Ltmp1:
0x8c: {  	[sflag:s12] =	ssyncset.done $0x0;
	(pc) =	sbr.rel @p0 .LBB2_1-.Ltmp1, $4  }
0x8d: {  	[sflag:s12] =	ssyncadd.s32 $0xFFFF3800  }
0x8e: {  	[hbm4b:s24+s2] =	stream.linear.scatter [tilespmem:s8], [sflag:$0x3], $0xC800, $0x38;
	[tilespmem:$0x1A900] =	vst v63  }
0x8f: {  	_ =	swait.ge [sflag:s3], $0xC800  }
0x90: {  	[sflag:s3] =	ssyncset.done $0x0  }
.LBB2_2:
0x91: {  	[sflag:s3] =	ssyncadd.s32 $0xFFFF3800  }
0x92: {  	_ =	sfence.sel $0x180000  }
0x93: {  	[bflag:$0x0] =	sbarrier.arrive $0xFFFF  }
0x94: {  	p0 =	sne.s32 s0, $0x0;
	_ =	strace $0x90000047  }
0x95: {  	s0 =	sadd.s32 @!p0 $0x100000, s1;
	[bflag:$0x2] =	sbarrier.arrive $0xFFFF  }
0x96: {  	[sflag:s0] =	ssyncadd.tile.s32 @!p0 $0x1;
	_ =	shalt  }
.Lfunc_end2:
_tile_overlayer_lowered:
.L_overlay_start_2:
0x97: {  	(tag) =	ssettag $0x2  }
0x98: {  	s0 =	rddreg [dreg:$0x0];
	s2 =	stileid.u32  }
0x99: {  	s1 =	rddreg [dreg:$0x1];
	p0 =	sne.s32 s2, $0x0  }
0x9a: {  	s3 =	rddreg [dreg:$0x2];
	[bflag:$0x3] =	sbarrier.arrive $0xFFFF;
	s2 =	simm.s32 @!p0 $0x1C03  }
0x9b: {  	[timem:s3], [sflag:s2] =	dma.local @!p0 [hbm:s0], s1  }
0x9c: {  	s0 =	simm.s32 @!p0 $0x3  }
0x9d: {  	_ =	swait.ge @!p0 [sflag:s0], s1  }
0x9e: {  	s1 =	ssub.s32 @!p0 $0x0, s1;
	[sflag:s0] =	ssyncset.done @!p0 $0x0  }
0x9f: {  	[sflag:s0] =	ssyncadd.s32 @!p0 s1  }
0xa0: {  	[bflag:$0x3] =	sbarrier.arrive $0xFFFF  }
0xa1: {  	_ =	shalt  }

// kernel: kernel.7.cloned.1.call-start
scs
__scs_entry_jumppad:
0x0: {  	(pc) =	sbr.rel $0x88, $3  }
0x1: {  	(tag) =	ssettag $0x0;
	lr =	simm.s32 $0x1  }
0x2: {  	[smem:$0x3F9D] =	sst lr;
	_ =	strace $0xD0000000  }
0x3: {  	_ = 	snop  }
0x4: {  	_ = 	snop  }
0x5: {  	_ = 	snop  }
0x6: {  	_ = 	snop  }
0x7: {  	_ = 	snop  }
__scs_overlays_trampoline_lowered:
0x8: {  	[smem:$0x3FAC] =	sst s0  }
0x9: {  	[smem:$0x3FAD] =	sst s1  }
0xa: {  	[smem:$0x3FAE] =	sst s2  }
0xb: {  	[smem:$0x3FAF] =	sst s3  }
0xc: {  	[smem:$0x3FB0] =	sst s4  }
0xd: {  	[smem:$0x3FB1] =	sst s5  }
0xe: {  	[smem:$0x3FB2] =	sst s6  }
0xf: {  	[smem:$0x3FB3] =	sst s7  }
0x10: {  	[smem:$0x3FB4] =	sst s8  }
0x11: {  	[smem:$0x3FB5] =	sst s9;
	s0 =	simm.s32 @!p0 $0x0  }
0x12: {  	s1 =	sld [smem:$0x3F9B];
	s0 =	simm.s32 @p0 $0x1  }
0x13: {  	[smem:$0x3FB6] =	sst s0;
	s0 =	simm.s32 @!p1 $0x0  }
0x14: {  	s2 =	sld [smem:$0x3F9A];
	s0 =	simm.s32 @p1 $0x1  }
0x15: {  	[smem:$0x3FB7] =	sst s0;
	s0 =	simm.s32 @!p2 $0x0  }
0x16: {  	s3 =	sld [smem:$0x3FDB];
	s0 =	simm.s32 @p2 $0x1  }
0x17: {  	s4 =	simm.s32 $0x1BF5;
	[smem:$0x3FB9] =	sst s0  }
0x18: {  	s0 =	sld [smem:$0x3F9C];
	_ =	swait.ge [sflag:s4], $0x0  }
0x19: {  	s7 =	sld [smem:$0x3F9D]  }
0x1a: {  	s8 =	sadd.s32 $0xFFFFE003, lr  }
0x1b: {  	s9 =	sadd.s32 $0xFFFFFEF7, lr;
	s5 =	simm.s32 $0xFFFFFFFF;
	p2 =	slt.u32 s8, $0xFFFFF086  }
0x1c: {  	p1 =	slt.u32 s9, $0xF7A;
	s5 =	simm.s32 @!p2 $0x0  }
0x1d: {  	s5 =	simm.s32 @p1 $0x1;
	p0 =	seq.s32 s7, s2  }
0x1e: {  	s7 =	smul.u32 @!p0 $0xF7A, s2;
	p2 =	seq.s32 @!p0 s5, $0x0  }
0x1f: {  	s9 =	smul.u32 $0xF7A, s1;
	s8 =	simm.s32 @!p0 $0x1BF5;
	p2 =	por !p2, p0  }
0x20: {  	[sflag:s8] =	ssyncset.s32 @!p0 $0xFFFFF086;
	s6 =	sadd.s32 @!p0 s3, s7;
	s7 =	simm.s32 @!p0 $0x108  }
0x21: {  	s3 =	sadd.s32 s3, s9;
	s6 =	sadd.s32 @!p0 $0x88, s6;
	s7 =	simm.s32 @p2 $0x1082  }
0x22: {  	[simem:s7], [sflag:s8] =	dma.local @!p0 [hbm:s6], $0xF7A  }
0x23: {  	s9 =	sor.u32 $0xD0000000, s2;
	s6 =	simm.s32 $0x108;
	_ =	swait.ge @!p0 [sflag:s8], $0x0  }
0x24: {  	s3 =	sadd.s32 $0x88, s3;
	s6 =	simm.s32 @!p1 $0x1082;
	[sflag:s4] =	ssyncset.s32 $0xFFFFF086  }
0x25: {  	[simem:s6], [sflag:s4] =	dma.local [hbm:s3], $0xF7A  }
0x26: {  	[smem:$0x3F9D] =	sst s1;
	(tag) =	ssettag s2;
	_ =	strace s9  }
0x27: {  	s1 =	sld [smem:$0x3FAD]  }
0x28: {  	s2 =	sld [smem:$0x3FAE]  }
0x29: {  	s4 =	sld [smem:$0x3FB0]  }
0x2a: {  	p0 =	seq.s32 s5, $0x0;
	s5 =	sld [smem:$0x3FB1]  }
0x2b: {  	s6 =	sld [smem:$0x3FB2]  }
0x2c: {  	s7 =	sld [smem:$0x3FB3]  }
0x2d: {  	s3 =	simm.s32 $0x108;
	s8 =	sld [smem:$0x3FB4]  }
0x2e: {  	s3 =	simm.s32 @!p0 $0x1082;
	s9 =	sld [smem:$0x3FB5]  }
0x2f: {  	lr =	sadd.s32 s0, s3;
	s0 =	sld [smem:$0x3FAC]  }
0x30: {  	s3 =	sld [smem:$0x3FAF]  }
0x31: {  	[smem:$0x3FB8] =	sst s10  }
0x32: {  	s10 =	sld [smem:$0x3FB6];
	_ =	sdelay $0x3  }
0x33: {  	p0 =	seq.s32 s10, $0x1;
	s10 =	sld [smem:$0x3FB8];
	_ =	sdelay $0x3  }
0x34: {  	[smem:$0x3FB8] =	sst s10  }
0x35: {  	s10 =	sld [smem:$0x3FB7];
	_ =	sdelay $0x3  }
0x36: {  	p1 =	seq.s32 s10, $0x1;
	s10 =	sld [smem:$0x3FB8];
	_ =	sdelay $0x3  }
0x37: {  	[smem:$0x3FB8] =	sst s10  }
0x38: {  	s10 =	sld [smem:$0x3FB9]  }
0x39: {  	_ = 	snop;
	(pc) =	sbr.ind lr, $3  }
0x3a: {  	_ = 	snop  }
0x3b: {  	_ = 	snop  }
0x3c: {  	p2 =	seq.s32 s10, $0x1;
	s10 =	sld [smem:$0x3FB8]  }
0x3d: {  	_ =	shalt  }
0x3e: {  	_ =	shalt  }
0x3f: {  	_ =	shalt  }
0x40: {  	_ =	shalt  }
0x41: {  	_ =	shalt  }
0x42: {  	_ =	shalt  }
0x43: {  	_ =	shalt  }
0x44: {  	_ =	shalt  }
0x45: {  	_ =	shalt  }
0x46: {  	_ =	shalt  }
0x47: {  	_ =	shalt  }
0x48: {  	_ =	shalt  }
0x49: {  	_ =	shalt  }
0x4a: {  	_ =	shalt  }
0x4b: {  	_ =	shalt  }
0x4c: {  	_ =	shalt  }
0x4d: {  	_ =	shalt  }
0x4e: {  	_ =	shalt  }
0x4f: {  	_ =	shalt  }
0x50: {  	_ =	shalt  }
0x51: {  	_ =	shalt  }
0x52: {  	_ =	shalt  }
0x53: {  	_ =	shalt  }
0x54: {  	_ =	shalt  }
0x55: {  	_ =	shalt  }
0x56: {  	_ =	shalt  }
0x57: {  	_ =	shalt  }
0x58: {  	_ =	shalt  }
0x59: {  	_ =	shalt  }
0x5a: {  	_ =	shalt  }
0x5b: {  	_ =	shalt  }
0x5c: {  	_ =	shalt  }
0x5d: {  	_ =	shalt  }
0x5e: {  	_ =	shalt  }
0x5f: {  	_ =	shalt  }
0x60: {  	_ =	shalt  }
0x61: {  	_ =	shalt  }
0x62: {  	_ =	shalt  }
0x63: {  	_ =	shalt  }
0x64: {  	_ =	shalt  }
0x65: {  	_ =	shalt  }
0x66: {  	_ =	shalt  }
0x67: {  	_ =	shalt  }
0x68: {  	_ =	shalt  }
0x69: {  	_ =	shalt  }
0x6a: {  	_ =	shalt  }
0x6b: {  	_ =	shalt  }
0x6c: {  	_ =	shalt  }
0x6d: {  	_ =	shalt  }
0x6e: {  	_ =	shalt  }
0x6f: {  	_ =	shalt  }
0x70: {  	_ =	shalt  }
0x71: {  	_ =	shalt  }
0x72: {  	_ =	shalt  }
0x73: {  	_ =	shalt  }
0x74: {  	_ =	shalt  }
0x75: {  	_ =	shalt  }
0x76: {  	_ =	shalt  }
0x77: {  	_ =	shalt  }
0x78: {  	_ =	shalt  }
0x79: {  	_ =	shalt  }
0x7a: {  	_ =	shalt  }
0x7b: {  	_ =	shalt  }
0x7c: {  	_ =	shalt  }
0x7d: {  	_ =	shalt  }
0x7e: {  	_ =	shalt  }
0x7f: {  	_ =	shalt  }
0x80: {  	_ =	shalt  }
0x81: {  	_ =	shalt  }
0x82: {  	_ =	shalt  }
0x83: {  	_ =	shalt  }
0x84: {  	_ =	shalt  }
0x85: {  	_ =	shalt  }
0x86: {  	_ =	shalt  }
0x87: {  	_ =	shalt  }
.Lfunc_end0:
.L_simem_size_0:
called_computation.3_lowered:
.L_overlay_start_0:
0x88: {  	s2 =	sld [smem:$0x3FD9]  }
0x89: {  	s3 =	sld [smem:$0x3FFE];
	_ =	sdelay $0x1  }
0x8a: {  	s1 =	srdreg.scid  }
0x8b: {  	s0 =	sand.u32 $0x1, s1  }
0x8c: {  	s15 =	sshll.u32 s0, $0xA;
	s2 =	sadd.s32 s3, s2  }
0x8d: {  	s2 =	sadd.s32 s2, s15  }
0x8e: {  	[smem:$0x3FC4] =	sst s2  }
0x8f: {  	_ = 	snop  }
0x90: {  	s2 =	sld [smem:$0x3FD0];
	_ =	sdelay $0x2  }
0x91: {  	s16 =	simm.s32 $0xB;
	s4 =	simm.s32 $0x10  }
0x92: {  	[smem:s4], [sflag:s16] =	dma.local [hbm:s2], $0x1  }
0x93: {  	_ =	swait.eq [sflag:s16], $0x1  }
0x94: {  	[sflag:s16] =	ssyncset.done $0x0  }
0x95: {  	[sflag:s16] =	ssyncadd.s32 $0xFFFFFFFF  }
0x96: {  	s17 =	sld [smem:$0x11];
	(tm) =	ssettm $0x1  }
0x97: {  	s18 =	sld [smem:$0x3FFB];
	_ =	sdelay $0x3  }
0x98: {  	_ =	strace s18  }
0x99: {  	s2 =	sld [smem:$0x3FFC];
	_ =	sdelay $0x3  }
0x9a: {  	_ =	strace s2  }
0x9b: {  	s2 =	sld [smem:$0x3FFD];
	_ =	sdelay $0x3  }
0x9c: {  	_ =	strace s2  }
0x9d: {  	_ =	strace $0x8FFFFFFF  }
0x9e: {  	s19 =	sld [smem:$0x3FDB];
	_ =	sdelay $0x1  }
0x9f: {  	s20 =	simm.s32 $_scs_section_size  }
0xa0: {  	s5 =	simm.s32 $_size__tile_overlayer_lowered;
	s6 =	simm.s32 $_tile_overlayer_lowered  }
0xa1: {  	s7 =	simm.s32 $0x1BFF;
	s21 =	sshll.u32 s6, $0x1;
	s4 =	sadd.s32 s20, s19  }
0xa2: {  	s22 =	simm.s32 $0x0;
	s5 =	sshll.u32 s5, $0x1;
	s6 =	sadd.s32 s21, s4  }
0xa3: {  	[timem:s22], [sflag:s7] =	dma.local [hbm:s6], s5  }
0xa4: {  	_ =	swait.ge [sflag:s7], s5  }
0xa5: {  	s5 =	ssub.s32 $0x0, s5;
	[sflag:s7] =	ssyncset.done $0x0  }
0xa6: {  	[sflag:s7] =	ssyncadd.s32 s5;
	_ =	sdelay $0x1  }
0xa7: {  	s23 =	simm.s32 $0x1B8B  }
0xa8: {  	_ =	swait.ge [sflag:s23], $0x1  }
0xa9: {  	[sflag:s23] =	ssyncset.done $0x0  }
0xaa: {  	[sflag:s23] =	ssyncadd.s32 $0xFFFFFFFF  }
0xab: {  	s5 =	sld [smem:$0x0]  }
0xac: {  	s6 =	sand.u32 $0xFFFFFFFE, s1  }
0xad: {  	p0 =	sne.s32 s1, s6  }
0xae: {  	s6 =	sshll.u32 @p0 s6, $0xE  }
0xaf: {  	s6 =	sadd.s32 @p0 $0x11B8D, s6;
	s7 =	sshll.u32 @p0 s5, $0x11  }
0xb0: {  	s6 =	sor.u32 @p0 s7, s6  }
0xb1: {  	[sflag:s6] =	ssyncadd.remote.s32 @p0 $0x1;
	_ =	sdelay $0x1  }
0xb2: {  	s6 =	simm.s32 @p0 $0x1B8D  }
0xb3: {  	_ =	swait.eq @p0 [sflag:s6], $0x1  }
0xb4: {  	[sflag:s6] =	ssyncadd.s32 @p0 $0xFFFFFFFF  }
0xb5: {  	s7 =	sshll.u32 @!p0 s1, $0xE  }
0xb6: {  	s7 =	sor.u32 @!p0 $0x4000, s7;
	s6 =	simm.s32 @!p0 $0x1B8D  }
0xb7: {  	s5 =	sshll.u32 @!p0 s5, $0x11;
	s7 =	sadd.s32 @!p0 $0x11B8D, s7;
	_ =	swait.eq @!p0 [sflag:s6], $0x1  }
0xb8: {  	s5 =	sor.u32 @!p0 s5, s7;
	[sflag:s6] =	ssyncadd.s32 @!p0 $0xFFFFFFFF  }
0xb9: {  	s25 =	simm.s32 $0x1B8E;
	s24 =	sld [smem:$0x3FFE];
	[sflag:s5] =	ssyncadd.remote.s32 @!p0 $0x1  }
0xba: {  	s26 =	simm.s32 $execute0_lowered;
	[smem:$0x3FD2] =	sst s25  }
0xbb: {  	s6 =	sshll.u32 s26, $0x1;
	_ =	strace $0x80000049;
	[dreg:$0x1] =	wrdreg $0xFFFFFFFF  }
0xbc: {  	s28 =	simm.s32 $_size_execute0_lowered;
	s4 =	sadd.s32 s4, s6;
	[dreg:$0x0] =	wrdreg $0x0  }
0xbd: {  	s6 =	sshll.u32 s28, $0x1;
	[dreg:$0x2] =	wrdreg s4  }
0xbe: {  	[dreg:$0x3] =	wrdreg s6  }
0xbf: {  	[dreg:$0x4] =	wrdreg $0xC0  }
0xc0: {  	_ =	task [dreg:s22], $0x5FFFF  }
0xc1: {  	[dreg:$0x1] =	wrdreg $0xFFFFFFFF  }
0xc2: {  	[dreg:$0x0] =	wrdreg $0x60  }
0xc3: {  	[dreg:$0x2] =	wrdreg s24  }
0xc4: {  	[dreg:$0x3] =	wrdreg s17  }
0xc5: {  	[dreg:$0x4] =	wrdreg $0xA  }
0xc6: {  	_ =	task.clear_ibuf [dreg:s22], $0x5FFFF;
	_ =	strace $0x90000049  }
0xc7: {  	s29 =	simm.s32 $0xA;
	_ =	strace $0x8000004B  }
0xc8: {  	_ =	swait.ge [sflag:s29], $0x1  }
0xc9: {  	[sflag:s29] =	ssyncadd.s32 $0xFFFFFFFF  }
0xca: {  	_ =	strace $0x9000004B  }
0xcb: {  	_ =	sfence  }
0xcc: {  	s30 =	sld [smem:$0x0];
	_ =	sdelay $0x2  }
0xcd: {  	s31 =	sshll.u32 s1, $0xD;
	s1 =	sshrl.u32 s1, $0x2  }
0xce: {  	s4 =	sand.u32 $0x4000, s31;
	s1 =	sadd.s32 s1, s30  }
0xcf: {  	s0 =	sor.u32 s4, s0;
	s1 =	sshll.u32 s1, $0x11  }
0xd0: {  	s0 =	sor.u32 s1, s0  }
0xd1: {  	s0 =	sadd.s32 $0x8F2B, s0  }
0xd2: {  	[sflag:s0] =	ssyncadd.remote.s32 $0x1  }
0xd3: {  	_ =	sfence.sel $0xFFFF  }
0xd4: {  	[dreg:$0x0] =	wrdreg $0xFFFFFFFF;
	(pc) =	sbr.abs _section_cstart, $3  }
0xd5: {  	[dreg:$0x1] =	wrdreg $0xFFFFFFFF  }
0xd6: {  	_ =	task.clear_ibuf [dreg:s22], $0x2FFFF;
	_ =	strace $0x9FFFFFFF  }
0xd7: {  	(tm) =	ssettm $0x7FFFFFFF  }
tec
execute0_lowered:
.L_overlay_start_1:
0x0: {  	(tag) =	ssettag $0x1  }
0x1: {  	s1 =	srdreg.scid;
	s0 =	stileid.u32  }
0x2: {  	s24 =	sand.u32 $0x1, s1;
	s30 =	sshll.u32 s0, $0x1  }
0x3: {  	s5 =	rddreg [dreg:$0x0];
	s11 =	sor.u32 s24, s30  }
0x4: {  	s13 =	rddreg [dreg:$0x1];
	s3 =	smul.u32 $0x320, s11  }
0x5: {  	s2 =	simm.s32 $0x0;
	s1 =	rddreg [dreg:$0x2]  }
0x6: {  	[smem:$0x7FF] =	sst s2;
	s3 =	sadd.s32 s3, s5  }
0x7: {  	_ =	strace $0x8000004A;
	s4 =	sadd.s32 $0xCB000, s3;
	s3 =	simm.s32 $0x3  }
0x8: {  	[tilespmem:s2], [sflag:$0x3] =	stream.linear.gather [hbm4b:s4+s2], $0x1900, $0x38;
	[tilespmem:$0x1A900] =	vst v63  }
0x9: {  	_ =	swait.ge [sflag:s3], $0x1900  }
0xa: {  	s6 =	simm.s32 $0x320;
	[sflag:s3] =	ssyncset.done $0x0  }
0xb: {  	s7 =	simm.s32 $0x1900;
	s5 =	sadd.s32 $0x7A00, s5;
	[sflag:s3] =	ssyncadd.s32 $0xFFFFE700  }
0xc: {  	[tilespmem:s7], [sflag:$0x1] =	stream.indirect.gather [hbm4b:s5+s6], $0x40, s2, s6, $0xb8;
	[tilespmem:$0x1A900] =	vst v63  }
0xd: {  	s8 =	simm.s32 $0xE100;
	s9 =	simm.s32 $0x1  }
0xe: {  	[tilespmem:s8], [sflag:$0x2] =	stream.indirect.gather [hbm4b:s5+s6], $0x40, s6, s6, $0xb8;
	[tilespmem:$0x1A900] =	vst v63  }
0xf: {  	s10 =	smul.u32 $0xC800, s11;
	_ =	swait.ge [sflag:s9], $0xC800  }
0x10: {  	[sflag:s9] =	ssyncset.done $0x0  }
0x11: {  	s10 =	sadd.s32 s13, s10;
	[sflag:s9] =	ssyncadd.s32 $0xFFFF3800  }
0x12: {  	[hbm4b:s10+s2] =	stream.linear.scatter [tilespmem:s7], [sflag:$0x3], $0xC800, $0x38;
	[tilespmem:$0x1A900] =	vst v63  }
0x13: {  	_ =	swait.ge [sflag:s3], $0xC800  }
0x14: {  	s12 =	simm.s32 $0x2;
	[sflag:s3] =	ssyncset.done $0x0  }
0x15: {  	s14 =	smul.u32 $0x64000, s11;
	s11 =	simm.s32 $0x640;
	[sflag:s3] =	ssyncadd.s32 $0xFFFF3800  }
0x16: {  	[tilespmem:s7], [sflag:$0x1] =	stream.indirect.gather [hbm4b:s5+s6], $0x40, s11, s6, $0xb8;
	[tilespmem:$0x1A900] =	vst v63  }
0x17: {  	s14 =	sshrl.u32 s14, $0x3;
	_ =	swait.ge [sflag:s12], $0xC800  }
0x18: {  	s25 =	sadd.s32 s13, s14;
	[sflag:s12] =	ssyncset.done $0x0  }
0x19: {  	s13 =	sadd.s32 $0x1900, s25;
	[sflag:s12] =	ssyncadd.s32 $0xFFFF3800  }
0x1a: {  	[hbm4b:s13+s2] =	stream.linear.scatter [tilespmem:s8], [sflag:$0x3], $0xC800, $0x38;
	[tilespmem:$0x1A900] =	vst v63  }
0x1b: {  	_ =	swait.ge [sflag:s3], $0xC800  }
0x1c: {  	[sflag:s3] =	ssyncset.done $0x0  }
0x1d: {  	s14 =	simm.s32 $0x960;
	[sflag:s3] =	ssyncadd.s32 $0xFFFF3800  }
0x1e: {  	[tilespmem:s8], [sflag:$0x2] =	stream.indirect.gather [hbm4b:s5+s6], $0x40, s14, s6, $0xb8;
	[tilespmem:$0x1A900] =	vst v63  }
0x1f: {  	_ =	swait.ge [sflag:s9], $0xC800  }
0x20: {  	[sflag:s9] =	ssyncset.done $0x0  }
0x21: {  	s15 =	sadd.s32 $0x3200, s25;
	[sflag:s9] =	ssyncadd.s32 $0xFFFF3800  }
0x22: {  	[hbm4b:s15+s2] =	stream.linear.scatter [tilespmem:s7], [sflag:$0x3], $0xC800, $0x38;
	[tilespmem:$0x1A900] =	vst v63  }
0x23: {  	_ =	swait.ge [sflag:s3], $0xC800  }
0x24: {  	[sflag:s3] =	ssyncset.done $0x0  }
0x25: {  	s16 =	simm.s32 $0xC80;
	[sflag:s3] =	ssyncadd.s32 $0xFFFF3800  }
0x26: {  	[tilespmem:s7], [sflag:$0x1] =	stream.indirect.gather [hbm4b:s5+s6], $0x40, s16, s6, $0xb8;
	[tilespmem:$0x1A900] =	vst v63  }
0x27: {  	_ =	swait.ge [sflag:s12], $0xC800  }
0x28: {  	[sflag:s12] =	ssyncset.done $0x0  }
0x29: {  	s17 =	sadd.s32 $0x4B00, s25;
	[sflag:s12] =	ssyncadd.s32 $0xFFFF3800  }
0x2a: {  	[hbm4b:s17+s2] =	stream.linear.scatter [tilespmem:s8], [sflag:$0x3], $0xC800, $0x38;
	[tilespmem:$0x1A900] =	vst v63  }
0x2b: {  	_ =	swait.ge [sflag:s3], $0xC800  }
0x2c: {  	[sflag:s3] =	ssyncset.done $0x0  }
0x2d: {  	s18 =	simm.s32 $0xFA0;
	[sflag:s3] =	ssyncadd.s32 $0xFFFF3800  }
0x2e: {  	[tilespmem:s8], [sflag:$0x2] =	stream.indirect.gather [hbm4b:s5+s6], $0x40, s18, s6, $0xb8;
	[tilespmem:$0x1A900] =	vst v63  }
0x2f: {  	_ =	swait.ge [sflag:s9], $0xC800  }
0x30: {  	[sflag:s9] =	ssyncset.done $0x0  }
0x31: {  	s19 =	sadd.s32 $0x6400, s25;
	[sflag:s9] =	ssyncadd.s32 $0xFFFF3800  }
0x32: {  	[hbm4b:s19+s2] =	stream.linear.scatter [tilespmem:s7], [sflag:$0x3], $0xC800, $0x38;
	[tilespmem:$0x1A900] =	vst v63  }
0x33: {  	_ =	swait.ge [sflag:s3], $0xC800  }
0x34: {  	[sflag:s3] =	ssyncset.done $0x0  }
0x35: {  	s20 =	simm.s32 $0x12C0;
	[sflag:s3] =	ssyncadd.s32 $0xFFFF3800  }
0x36: {  	[tilespmem:s7], [sflag:$0x1] =	stream.indirect.gather [hbm4b:s5+s6], $0x40, s20, s6, $0xb8;
	[tilespmem:$0x1A900] =	vst v63  }
0x37: {  	_ =	swait.ge [sflag:s12], $0xC800  }
0x38: {  	[sflag:s12] =	ssyncset.done $0x0  }
0x39: {  	s21 =	sadd.s32 $0x7D00, s25;
	[sflag:s12] =	ssyncadd.s32 $0xFFFF3800  }
0x3a: {  	[hbm4b:s21+s2] =	stream.linear.scatter [tilespmem:s8], [sflag:$0x3], $0xC800, $0x38;
	[tilespmem:$0x1A900] =	vst v63  }
0x3b: {  	_ =	swait.ge [sflag:s3], $0xC800  }
0x3c: {  	[sflag:s3] =	ssyncset.done $0x0  }
0x3d: {  	s22 =	simm.s32 $0x15E0;
	[sflag:s3] =	ssyncadd.s32 $0xFFFF3800  }
0x3e: {  	[tilespmem:s8], [sflag:$0x2] =	stream.indirect.gather [hbm4b:s5+s6], $0x40, s22, s6, $0xb8;
	[tilespmem:$0x1A900] =	vst v63  }
0x3f: {  	_ =	swait.ge [sflag:s9], $0xC800  }
0x40: {  	[sflag:s9] =	ssyncset.done $0x0  }
0x41: {  	s24 =	ssub.s32 $0x2, s24;
	s23 =	sadd.s32 $0x9600, s25;
	[sflag:s9] =	ssyncadd.s32 $0xFFFF3800  }
0x42: {  	[hbm4b:s23+s2] =	stream.linear.scatter [tilespmem:s7], [sflag:$0x3], $0xC800, $0x38;
	[tilespmem:$0x1A900] =	vst v63  }
0x43: {  	s26 =	sshrl.u32 s24, $0x1;
	_ =	swait.ge [sflag:s3], $0xC800  }
0x44: {  	s26 =	ssub.s32 s24, s26;
	[sflag:s3] =	ssyncset.done $0x0  }
0x45: {  	s31 =	smax.u32 s26, $0x1;
	[sflag:s3] =	ssyncadd.s32 $0xFFFF3800  }
0x46: {  	p0 =	sne.s32 s31, $0x1;
	_ =	swait.ge [sflag:s12], $0xC800  }
.Ltmp0:
0x47: {  	[sflag:s12] =	ssyncset.done $0x0;
	(pc) =	sbr.rel @!p0 .LBB2_2-.Ltmp0, $4  }
0x48: {  	s24 =	sadd.s32 $0xAF00, s25;
	[sflag:s12] =	ssyncadd.s32 $0xFFFF3800  }
0x49: {  	[hbm4b:s24+s2] =	stream.linear.scatter [tilespmem:s8], [sflag:$0x3], $0xC800, $0x38;
	[tilespmem:$0x1A900] =	vst v63  }
0x4a: {  	_ =	swait.ge [sflag:s3], $0xC800  }
0x4b: {  	s25 =	sadd.s32 $0xFFFFFFFF, s31;
	[sflag:s3] =	ssyncset.done $0x0  }
.LBB2_1:
0x4c: {  	p0 =	sne.s32 s25, $0x1;
	s25 =	sadd.s32 $0xFFFFFFFF, s25;
	[sflag:s3] =	ssyncadd.s32 $0xFFFF3800  }
0x4d: {  	[tilespmem:s2], [sflag:$0x3] =	stream.linear.gather [hbm4b:s4+s2], $0x1900, $0x38;
	[tilespmem:$0x1A900] =	vst v63  }
0x4e: {  	_ =	swait.ge [sflag:s3], $0x1900  }
0x4f: {  	[sflag:s3] =	ssyncset.done $0x0  }
0x50: {  	[sflag:s3] =	ssyncadd.s32 $0xFFFFE700  }
0x51: {  	[tilespmem:s7], [sflag:$0x1] =	stream.indirect.gather [hbm4b:s5+s6], $0x40, s2, s6, $0xb8;
	[tilespmem:$0x1A900] =	vst v63  }
0x52: {  	_ = 	snop  }
0x53: {  	[tilespmem:s8], [sflag:$0x2] =	stream.indirect.gather [hbm4b:s5+s6], $0x40, s6, s6, $0xb8;
	[tilespmem:$0x1A900] =	vst v63  }
0x54: {  	_ =	swait.ge [sflag:s9], $0xC800  }
0x55: {  	[sflag:s9] =	ssyncset.done $0x0  }
0x56: {  	[sflag:s9] =	ssyncadd.s32 $0xFFFF3800  }
0x57: {  	[hbm4b:s10+s2] =	stream.linear.scatter [tilespmem:s7], [sflag:$0x3], $0xC800, $0x38;
	[tilespmem:$0x1A900] =	vst v63  }
0x58: {  	_ =	swait.ge [sflag:s3], $0xC800  }
0x59: {  	[sflag:s3] =	ssyncset.done $0x0  }
0x5a: {  	[sflag:s3] =	ssyncadd.s32 $0xFFFF3800  }
0x5b: {  	[tilespmem:s7], [sflag:$0x1] =	stream.indirect.gather [hbm4b:s5+s6], $0x40, s11, s6, $0xb8;
	[tilespmem:$0x1A900] =	vst v63  }
0x5c: {  	_ =	swait.ge [sflag:s12], $0xC800  }
0x5d: {  	[sflag:s12] =	ssyncset.done $0x0  }
0x5e: {  	[sflag:s12] =	ssyncadd.s32 $0xFFFF3800  }
0x5f: {  	[hbm4b:s13+s2] =	stream.linear.scatter [tilespmem:s8], [sflag:$0x3], $0xC800, $0x38;
	[tilespmem:$0x1A900] =	vst v63  }
0x60: {  	_ =	swait.ge [sflag:s3], $0xC800  }
0x61: {  	[sflag:s3] =	ssyncset.done $0x0  }
0x62: {  	[sflag:s3] =	ssyncadd.s32 $0xFFFF3800  }
0x63: {  	[tilespmem:s8], [sflag:$0x2] =	stream.indirect.gather [hbm4b:s5+s6], $0x40, s14, s6, $0xb8;
	[tilespmem:$0x1A900] =	vst v63  }
0x64: {  	_ =	swait.ge [sflag:s9], $0xC800  }
0x65: {  	[sflag:s9] =	ssyncset.done $0x0  }
0x66: {  	[sflag:s9] =	ssyncadd.s32 $0xFFFF3800  }
0x67: {  	[hbm4b:s15+s2] =	stream.linear.scatter [tilespmem:s7], [sflag:$0x3], $0xC800, $0x38;
	[tilespmem:$0x1A900] =	vst v63  }
0x68: {  	_ =	swait.ge [sflag:s3], $0xC800  }
0x69: {  	[sflag:s3] =	ssyncset.done $0x0  }
0x6a: {  	[sflag:s3] =	ssyncadd.s32 $0xFFFF3800  }
0x6b: {  	[tilespmem:s7], [sflag:$0x1] =	stream.indirect.gather [hbm4b:s5+s6], $0x40, s16, s6, $0xb8;
	[tilespmem:$0x1A900] =	vst v63  }
0x6c: {  	_ =	swait.ge [sflag:s12], $0xC800  }
0x6d: {  	[sflag:s12] =	ssyncset.done $0x0  }
0x6e: {  	[sflag:s12] =	ssyncadd.s32 $0xFFFF3800  }
0x6f: {  	[hbm4b:s17+s2] =	stream.linear.scatter [tilespmem:s8], [sflag:$0x3], $0xC800, $0x38;
	[tilespmem:$0x1A900] =	vst v63  }
0x70: {  	_ =	swait.ge [sflag:s3], $0xC800  }
0x71: {  	[sflag:s3] =	ssyncset.done $0x0  }
0x72: {  	[sflag:s3] =	ssyncadd.s32 $0xFFFF3800  }
0x73: {  	[tilespmem:s8], [sflag:$0x2] =	stream.indirect.gather [hbm4b:s5+s6], $0x40, s18, s6, $0xb8;
	[tilespmem:$0x1A900] =	vst v63  }
0x74: {  	_ =	swait.ge [sflag:s9], $0xC800  }
0x75: {  	[sflag:s9] =	ssyncset.done $0x0  }
0x76: {  	[sflag:s9] =	ssyncadd.s32 $0xFFFF3800  }
0x77: {  	[hbm4b:s19+s2] =	stream.linear.scatter [tilespmem:s7], [sflag:$0x3], $0xC800, $0x38;
	[tilespmem:$0x1A900] =	vst v63  }
0x78: {  	_ =	swait.ge [sflag:s3], $0xC800  }
0x79: {  	[sflag:s3] =	ssyncset.done $0x0  }
0x7a: {  	[sflag:s3] =	ssyncadd.s32 $0xFFFF3800  }
0x7b: {  	[tilespmem:s7], [sflag:$0x1] =	stream.indirect.gather [hbm4b:s5+s6], $0x40, s20, s6, $0xb8;
	[tilespmem:$0x1A900] =	vst v63  }
0x7c: {  	_ =	swait.ge [sflag:s12], $0xC800  }
0x7d: {  	[sflag:s12] =	ssyncset.done $0x0  }
0x7e: {  	[sflag:s12] =	ssyncadd.s32 $0xFFFF3800  }
0x7f: {  	[hbm4b:s21+s2] =	stream.linear.scatter [tilespmem:s8], [sflag:$0x3], $0xC800, $0x38;
	[tilespmem:$0x1A900] =	vst v63  }
0x80: {  	_ =	swait.ge [sflag:s3], $0xC800  }
0x81: {  	[sflag:s3] =	ssyncset.done $0x0  }
0x82: {  	[sflag:s3] =	ssyncadd.s32 $0xFFFF3800  }
0x83: {  	[tilespmem:s8], [sflag:$0x2] =	stream.indirect.gather [hbm4b:s5+s6], $0x40, s22, s6, $0xb8;
	[tilespmem:$0x1A900] =	vst v63  }
0x84: {  	_ =	swait.ge [sflag:s9], $0xC800  }
0x85: {  	[sflag:s9] =	ssyncset.done $0x0  }
0x86: {  	[sflag:s9] =	ssyncadd.s32 $0xFFFF3800  }
0x87: {  	[hbm4b:s23+s2] =	stream.linear.scatter [tilespmem:s7], [sflag:$0x3], $0xC800, $0x38;
	[tilespmem:$0x1A900] =	vst v63  }
0x88: {  	_ =	swait.ge [sflag:s3], $0xC800  }
0x89: {  	[sflag:s3] =	ssyncset.done $0x0  }
0x8a: {  	[sflag:s3] =	ssyncadd.s32 $0xFFFF3800  }
0x8b: {  	_ =	swait.ge [sflag:s12], $0xC800  }
.Ltmp1:
0x8c: {  	[sflag:s12] =	ssyncset.done $0x0;
	(pc) =	sbr.rel @p0 .LBB2_1-.Ltmp1, $4  }
0x8d: {  	[sflag:s12] =	ssyncadd.s32 $0xFFFF3800  }
0x8e: {  	[hbm4b:s24+s2] =	stream.linear.scatter [tilespmem:s8], [sflag:$0x3], $0xC800, $0x38;
	[tilespmem:$0x1A900] =	vst v63  }
0x8f: {  	_ =	swait.ge [sflag:s3], $0xC800  }
0x90: {  	[sflag:s3] =	ssyncset.done $0x0  }
.LBB2_2:
0x91: {  	[sflag:s3] =	ssyncadd.s32 $0xFFFF3800  }
0x92: {  	_ =	sfence.sel $0x180000  }
0x93: {  	[bflag:$0x0] =	sbarrier.arrive $0xFFFF  }
0x94: {  	p0 =	sne.s32 s0, $0x0;
	_ =	strace $0x9000004A  }
0x95: {  	s0 =	sadd.s32 @!p0 $0x100000, s1;
	[bflag:$0x2] =	sbarrier.arrive $0xFFFF  }
0x96: {  	[sflag:s0] =	ssyncadd.tile.s32 @!p0 $0x1;
	_ =	shalt  }
.Lfunc_end2:
_tile_overlayer_lowered:
.L_overlay_start_2:
0x97: {  	(tag) =	ssettag $0x2  }
0x98: {  	s0 =	rddreg [dreg:$0x0];
	s2 =	stileid.u32  }
0x99: {  	s1 =	rddreg [dreg:$0x1];
	p0 =	sne.s32 s2, $0x0  }
0x9a: {  	s3 =	rddreg [dreg:$0x2];
	[bflag:$0x3] =	sbarrier.arrive $0xFFFF;
	s2 =	simm.s32 @!p0 $0x1C03  }
0x9b: {  	[timem:s3], [sflag:s2] =	dma.local @!p0 [hbm:s0], s1  }
0x9c: {  	s0 =	simm.s32 @!p0 $0x3  }
0x9d: {  	_ =	swait.ge @!p0 [sflag:s0], s1  }
0x9e: {  	s1 =	ssub.s32 @!p0 $0x0, s1;
	[sflag:s0] =	ssyncset.done @!p0 $0x0  }
0x9f: {  	[sflag:s0] =	ssyncadd.s32 @!p0 s1  }
0xa0: {  	[bflag:$0x3] =	sbarrier.arrive $0xFFFF  }
0xa1: {  	_ =	shalt  }

// kernel: sparse-core-data-format-call.1.cloned.1.call-start
scs
called_computation.1_lowered:
.L_overlay_start_0:
0x0: {  	s2 =	sld [smem:$0x3FD9]  }
0x1: {  	s3 =	sld [smem:$0x3FFE];
	_ =	sdelay $0x1  }
0x2: {  	s1 =	srdreg.scid  }
0x3: {  	s0 =	sand.u32 $0x1, s1  }
0x4: {  	s16 =	sshll.u32 s0, $0xA;
	s2 =	sadd.s32 s3, s2  }
0x5: {  	s2 =	sadd.s32 s2, s16  }
0x6: {  	[smem:$0x3FC4] =	sst s2  }
0x7: {  	_ = 	snop  }
0x8: {  	s2 =	sld [smem:$0x3FD0];
	_ =	sdelay $0x2  }
0x9: {  	s17 =	simm.s32 $0xB;
	s4 =	simm.s32 $0x10  }
0xa: {  	[smem:s4], [sflag:s17] =	dma.local [hbm:s2], $0x1  }
0xb: {  	_ =	swait.eq [sflag:s17], $0x1  }
0xc: {  	[sflag:s17] =	ssyncset.done $0x0  }
0xd: {  	[sflag:s17] =	ssyncadd.s32 $0xFFFFFFFF  }
0xe: {  	s18 =	sld [smem:$0x10];
	(tm) =	ssettm $0x1  }
0xf: {  	s19 =	sld [smem:$0x3FFB];
	_ =	sdelay $0x3  }
0x10: {  	_ =	strace s19  }
0x11: {  	s2 =	sld [smem:$0x3FFC];
	_ =	sdelay $0x3  }
0x12: {  	_ =	strace s2  }
0x13: {  	s2 =	sld [smem:$0x3FFD];
	_ =	sdelay $0x3  }
0x14: {  	_ =	strace s2  }
0x15: {  	_ =	strace $0x8FFFFFFF  }
0x16: {  	s20 =	sld [smem:$0x3FDB];
	_ =	sdelay $0x1  }
0x17: {  	s21 =	simm.s32 $_scs_section_size  }
0x18: {  	s5 =	simm.s32 $_size__tile_overlayer_lowered;
	s6 =	simm.s32 $_tile_overlayer_lowered  }
0x19: {  	s7 =	simm.s32 $0x1BFF;
	s22 =	sshll.u32 s6, $0x1;
	s4 =	sadd.s32 s21, s20  }
0x1a: {  	s23 =	simm.s32 $0x0;
	s5 =	sshll.u32 s5, $0x1;
	s6 =	sadd.s32 s22, s4  }
0x1b: {  	[timem:s23], [sflag:s7] =	dma.local [hbm:s6], s5  }
0x1c: {  	_ =	swait.ge [sflag:s7], s5  }
0x1d: {  	s5 =	ssub.s32 $0x0, s5;
	[sflag:s7] =	ssyncset.done $0x0  }
0x1e: {  	[sflag:s7] =	ssyncadd.s32 s5;
	_ =	sdelay $0x1  }
0x1f: {  	s24 =	simm.s32 $0x1B8B  }
0x20: {  	_ =	swait.ge [sflag:s24], $0x1  }
0x21: {  	[sflag:s24] =	ssyncset.done $0x0  }
0x22: {  	[sflag:s24] =	ssyncadd.s32 $0xFFFFFFFF  }
0x23: {  	s5 =	sld [smem:$0x0]  }
0x24: {  	s6 =	sand.u32 $0xFFFFFFFE, s1  }
0x25: {  	p0 =	sne.s32 s1, s6  }
0x26: {  	s6 =	sshll.u32 @p0 s6, $0xE  }
0x27: {  	s6 =	sadd.s32 @p0 $0x11B8D, s6;
	s7 =	sshll.u32 @p0 s5, $0x11  }
0x28: {  	s6 =	sor.u32 @p0 s7, s6  }
0x29: {  	[sflag:s6] =	ssyncadd.remote.s32 @p0 $0x1;
	_ =	sdelay $0x1  }
0x2a: {  	s6 =	simm.s32 @p0 $0x1B8D  }
0x2b: {  	_ =	swait.eq @p0 [sflag:s6], $0x1  }
0x2c: {  	[sflag:s6] =	ssyncadd.s32 @p0 $0xFFFFFFFF  }
0x2d: {  	s7 =	sshll.u32 @!p0 s1, $0xE  }
0x2e: {  	s7 =	sor.u32 @!p0 $0x4000, s7;
	s6 =	simm.s32 @!p0 $0x1B8D  }
0x2f: {  	s5 =	sshll.u32 @!p0 s5, $0x11;
	s7 =	sadd.s32 @!p0 $0x11B8D, s7;
	_ =	swait.eq @!p0 [sflag:s6], $0x1  }
0x30: {  	s5 =	sor.u32 @!p0 s5, s7;
	[sflag:s6] =	ssyncadd.s32 @!p0 $0xFFFFFFFF  }
0x31: {  	s26 =	simm.s32 $0x1B8E;
	s25 =	sld [smem:$0x3FFE];
	[sflag:s5] =	ssyncadd.remote.s32 @!p0 $0x1  }
0x32: {  	s27 =	simm.s32 $execute0_lowered;
	[smem:$0x3FD2] =	sst s26  }
0x33: {  	s6 =	sshll.u32 s27, $0x1;
	_ =	strace $0x8000004C;
	[dreg:$0x1] =	wrdreg $0xFFFFFFFF  }
0x34: {  	s28 =	simm.s32 $_size_execute0_lowered;
	s4 =	sadd.s32 s4, s6;
	[dreg:$0x0] =	wrdreg $0x0  }
0x35: {  	s6 =	sshll.u32 s28, $0x1;
	[dreg:$0x2] =	wrdreg s4  }
0x36: {  	[dreg:$0x3] =	wrdreg s6  }
0x37: {  	[dreg:$0x4] =	wrdreg $0xC0  }
0x38: {  	_ =	task [dreg:s23], $0x5FFFF  }
0x39: {  	[dreg:$0x1] =	wrdreg $0xFFFFFFFF  }
0x3a: {  	[dreg:$0x0] =	wrdreg $0x60  }
0x3b: {  	[dreg:$0x2] =	wrdreg s25  }
0x3c: {  	[dreg:$0x3] =	wrdreg s18  }
0x3d: {  	[dreg:$0x4] =	wrdreg $0x9  }
0x3e: {  	_ =	task.clear_ibuf [dreg:s23], $0x5FFFF;
	_ =	strace $0x9000004C  }
0x3f: {  	s29 =	simm.s32 $0x9;
	_ =	strace $0x8000004E  }
0x40: {  	_ =	swait.ge [sflag:s29], $0x1  }
0x41: {  	[sflag:s29] =	ssyncadd.s32 $0xFFFFFFFF  }
0x42: {  	_ =	strace $0x9000004E  }
0x43: {  	_ =	sfence  }
0x44: {  	s30 =	sld [smem:$0x0];
	_ =	sdelay $0x2  }
0x45: {  	s31 =	sshll.u32 s1, $0xD;
	s1 =	sshrl.u32 s1, $0x2  }
0x46: {  	s4 =	sand.u32 $0x4000, s31;
	s1 =	sadd.s32 s1, s30  }
0x47: {  	s0 =	sor.u32 s4, s0;
	s1 =	sshll.u32 s1, $0x11  }
0x48: {  	s0 =	sor.u32 s1, s0  }
0x49: {  	s0 =	sadd.s32 $0x8F2B, s0  }
0x4a: {  	[sflag:s0] =	ssyncadd.remote.s32 $0x1  }
0x4b: {  	_ =	sfence.sel $0xFFFF  }
0x4c: {  	[dreg:$0x0] =	wrdreg $0xFFFFFFFF;
	(pc) =	sbr.abs _section_cstart, $3  }
0x4d: {  	[dreg:$0x1] =	wrdreg $0xFFFFFFFF  }
0x4e: {  	_ =	task.clear_ibuf [dreg:s23], $0x2FFFF;
	_ =	strace $0x9FFFFFFF  }
0x4f: {  	(tm) =	ssettm $0x7FFFFFFF  }
tec
execute0_lowered:
.L_overlay_start_1:
0x0: {  	(tag) =	ssettag $0x1  }
0x1: {  	s0 =	srdreg.scid  }
0x2: {  	s1 =	sshll.u32 s0, $0x4  }
0x3: {  	s0 =	stileid.u32;
	s1 =	sand.u32 $0x10, s1  }
0x4: {  	s1 =	sor.u32 s0, s1  }
0x5: {  	s6 =	rddreg [dreg:$0x0];
	s4 =	simm.s32 $0x1;
	s2 =	sshll.u32 s1, $0x7  }
0x6: {  	s7 =	simm.s32 $0x2;
	s12 =	simm.s32 $0x0;
	s1 =	ssub.s32 $0x1000, s2  }
0x7: {  	s8 =	simm.s32 $0x8000;
	s13 =	simm.s32 $0x0;
	s3 =	sand.u32 $0xF80, s1  }
0x8: {  	s9 =	simm.s32 $0x0;
	s5 =	sshrl.u32 s1, $0xC;
	p0 =	sne.s32 s3, $0x0  }
.Ltmp0:
0x9: {  	s1 =	rddreg [dreg:$0x2];
	s4 =	simm.s32 @!p0 $0x0;
	(pc) =	sbr.rel .LBB1_1-.Ltmp0, $4  }
0xa: {  	s11 =	simm.s32 $0x0;
	s3 =	rddreg [dreg:$0x1];
	s5 =	sadd.s32 s4, s5  }
0xb: {  	_ =	strace $0x8000004D;
	s4 =	simm.s32 $0x1;
	s5 =	smul.u32 $0x32, s5  }
0xc: {  	s6 =	sadd.s32 $0xD1400, s6;
	s10 =	smov.u32 s2;
	[sflag:s4] =	ssyncpa.u1 $0x0  }
0xd: {  	p0 =	por $0x0, $0x0;
	[sflag:s7] =	ssyncpa.u1 $0x0;
	s7 =	sor.u32 $0x1, s5  }
.LBB1_4:
0xe: {  	s16 =	sshll.u32 s13, $0x3;
	s17 =	sand.u32 $0x78, s13  }
0xf: {  	s30 =	sand.u32 $0x7E00, s13;
	s12 =	sshll.u32 s12, $0xF;
	s16 =	sand.u32 $0xC00, s16  }
0x10: {  	[tilespmem:s15+$0x810 ss:$0x81] =	vst.msk $0xffff, v2;
	s31 =	sand.u32 $0x7, s13;
	s16 =	sor.u32 s17, s16;
	s17 =	sadd.s32 s3, s30  }
0x11: {  	[tilespmem:s15+$0x1020 ss:$0x81] =	vst.msk $0xffff, v0;
	s13 =	sshll.u32 s31, $0x12;
	s12 =	sadd.s32 s12, s17;
	s16 =	sshrl.u32 s16, $0x3  }
0x12: {  	[tilespmem:s15+$0x0 ss:$0x81] =	vst.msk $0xffff, v1;
	s13 =	sor.u32 $0x400, s13;
	s12 =	sadd.s32 s16, s12  }
0x13: {  	[hbm4b:s12+s13] =	stream.strided.scatter [tilespmem:s14], [sflag:$0x2], $0x2000, s8, s13, $0x20;
	[tilespmem:$0x8080] =	vst v63  }
.LBB1_5:
0x14: {  	s14 =	sadd.s32 $0x1, s9  }
0x15: {  	s12 =	sadd.s32 $0x1000, s10;
	s16 =	smov.u32 s10;
	p2 =	sgt.s32 s14, $0x31  }
0x16: {  	s16 =	smov.u32 @p2 s12  }
0x17: {  	s14 =	simm.s32 @p2 $0x0;
	p2 =	sgt.s32 s16, $0xFFF  }
0x18: {  	s16 =	smov.u32 @p2 s2;
	p2 =	sne.s32 s11, s7  }
.Ltmp1:
0x19: {  	p1 =	slt.u32 s11, $0x2;
	(pc) =	sbr.rel @!p2 .LBB1_6-.Ltmp1, $4  }
0x1a: {  	s15 =	simm.s32 @!p1 $0x2  }
0x1b: {  	s13 =	smov.u32 s10;
	p0 =	por !p0, !p0;
	_ =	swait.ge @!p1 [sflag:s15], $0x2000  }
0x1c: {  	s12 =	smov.u32 s9;
	[sflag:s15] =	ssyncset.done @!p1 $0x0;
	s9 =	smov.u32 s14  }
0x1d: {  	s11 =	sadd.s32 $0x1, s11;
	[sflag:s15] =	ssyncadd.s32 @!p1 $0xFFFFE000;
	s10 =	smov.u32 s16  }
.LBB1_1:
0x1e: {  	p1 =	sge.u32 s11, s5  }
0x1f: {  	s14 =	sand.u32 @!p1 $0x1FFFFFF, s9  }
0x20: {  	s15 =	smulhi.u32 @!p1 $0x4924925, s14;
	_ =	sdelay $0x1  }
0x21: {  	s15 =	smul.u32 @!p1 $0x38, s15  }
0x22: {  	s16 =	sxor.u32 @!p1 $0xFFFFFFFF, s11;
	s17 =	smul.u32 @!p1 $0x380, s10  }
0x23: {  	s31 =	sadd.s32 $0xFFFFFFFF, s11;
	s16 =	sshll.u32 @!p1 s16, $0xD;
	s14 =	ssub.s32 @!p1 s14, s15  }
0x24: {  	s15 =	sand.u32 @!p1 $0x2000, s16;
	s16 =	sadd.s32 @!p1 s6, s17;
	s14 =	sshll.u32 @!p1 s14, $0x4  }
0x25: {  	s17 =	simm.s32 @!p1 $0x1C00;
	s14 =	sadd.s32 @!p1 s14, s16;
	s16 =	simm.s32 @!p1 $0x40  }
0x26: {  	[tilespmem:s15], [sflag:$0x1] =	stream.strided.gather @!p1 [hbm4b:s14+s16], $0x2000, s17, s16, $0x38;
	[tilespmem:$0x8080] =	vst v63  }
0x27: {  	p1 =	sge.u32 s31, s5  }
.Ltmp2:
0x28: {  	_ = 	snop;
	(pc) =	sbr.rel @p1 .LBB1_5-.Ltmp2, $1  }
0x29: {  	_ =	sdelay $0x3  }
0x2a: {  	s14 =	simm.s32 $0x1  }
0x2b: {  	_ =	swait.ge [sflag:s4], $0x2000;
	s14 =	simm.s32 @!p0 $0x0  }
0x2c: {  	[sflag:s4] =	ssyncset.done $0x0;
	s15 =	sshll.u32 s14, $0xD  }
0x2d: {  	[sflag:s4] =	ssyncadd.s32 $0xFFFFE000;
	s18 =	sor.u32 $0x20, s15  }
0x2e: {  	s14 =	smul.u32 $0x8100, s14;
	v3 =	vld [tilespmem:s18+$0x10]  }
0x2f: {  	s30 =	sand.u32 $0x1, s11;
	v2 =	vld [tilespmem:s18+$0xFFFFFFF0]  }
0x30: {  	s15 =	smul.u32 $0x8100, s30;
	s14 =	sshrl.u32 s14, $0x2;
	v0 =	vld [tilespmem:s18+$0x0]  }
0x31: {  	v1 =	vld [tilespmem:s18+$0xFFFFFFE0];
	s16 =	sor.u32 $0x4000, s14  }
0x32: {  	s31 =	sshrl.u32 s15, $0x2;
	s15 =	sadd.s32 $0x0, s16  }
0x33: {  	s17 =	simm.s32 $0x4;
	s18 =	sadd.s32 $0x40, s18;
	s14 =	sor.u32 $0x4000, s31;
	[tilespmem:s15+$0x1830 ss:$0x81] =	vst.msk $0xffff, v3  }
.LBB1_3:
0x34: {  	v3 =	vld [tilespmem:s18+$0x10];
	p1 =	sne.s32 s17, $0x1FC;
	[tilespmem:s15+$0x810 ss:$0x81] =	vst.msk $0xffff, v2;
	s19 =	smov.u32 s17;
	s17 =	sadd.s32 $0x4, s17  }
.Ltmp3:
0x35: {  	v2 =	vld [tilespmem:s18+$0xFFFFFFF0];
	[tilespmem:s15+$0x1020 ss:$0x81] =	vst.msk $0xffff, v0;
	(pc) =	sbr.rel @p1 .LBB1_3-.Ltmp3, $4  }
0x36: {  	v0 =	vld [tilespmem:s18+$0x0];
	[tilespmem:s15+$0x0 ss:$0x81] =	vst.msk $0xffff, v1  }
0x37: {  	s15 =	sshra.s32 s19, $0x2;
	v1 =	vld [tilespmem:s18+$0xFFFFFFE0]  }
0x38: {  	s15 =	sadd.s32 s15, s16  }
0x39: {  	s18 =	sadd.s32 $0x40, s18;
	[tilespmem:s15+$0x1830 ss:$0x81] =	vst.msk $0xffff, v3  }
.Ltmp4:
0x3a: {  	_ = 	snop;
	(pc) =	sbr.rel .LBB1_4-.Ltmp4, $1  }
0x3b: {  	_ =	sdelay $0x3  }
.LBB1_6:
0x3c: {  	_ =	sfence.sel $0x180000  }
0x3d: {  	s2 =	simm.s32 $0x1;
	[bflag:$0x0] =	sbarrier.arrive $0xFFFF  }
0x3e: {  	s31 =	simm.s32 $0x2;
	[sflag:s2] =	ssyncpa.u1 $0x1  }
0x3f: {  	[sflag:s31] =	ssyncpa.u1 $0x1  }
0x40: {  	p0 =	sne.s32 s0, $0x0;
	_ =	strace $0x9000004D  }
0x41: {  	s0 =	sadd.s32 @!p0 $0x100000, s1;
	[bflag:$0x2] =	sbarrier.arrive $0xFFFF  }
0x42: {  	[sflag:s0] =	ssyncadd.tile.s32 @!p0 $0x1;
	_ =	shalt  }
.Lfunc_end1:
_tile_overlayer_lowered:
.L_overlay_start_2:
0x43: {  	(tag) =	ssettag $0x2  }
0x44: {  	s0 =	rddreg [dreg:$0x0];
	s2 =	stileid.u32  }
0x45: {  	s1 =	rddreg [dreg:$0x1];
	p0 =	sne.s32 s2, $0x0  }
0x46: {  	s3 =	rddreg [dreg:$0x2];
	[bflag:$0x3] =	sbarrier.arrive $0xFFFF;
	s2 =	simm.s32 @!p0 $0x1C01  }
0x47: {  	[timem:s3], [sflag:s2] =	dma.local @!p0 [hbm:s0], s1  }
0x48: {  	s0 =	simm.s32 @!p0 $0x1  }
0x49: {  	_ =	swait.ge @!p0 [sflag:s0], s1  }
0x4a: {  	s1 =	ssub.s32 @!p0 $0x0, s1;
	[sflag:s0] =	ssyncset.done @!p0 $0x0  }
0x4b: {  	[sflag:s0] =	ssyncadd.s32 @!p0 s1  }
0x4c: {  	[bflag:$0x3] =	sbarrier.arrive $0xFFFF  }
0x4d: {  	_ =	shalt  }

// kernel: sparse-core-data-format-call.cloned.1.call-start
scs
called_computation_lowered:
.L_overlay_start_0:
0x0: {  	s2 =	sld [smem:$0x3FD9]  }
0x1: {  	s3 =	sld [smem:$0x3FFE];
	_ =	sdelay $0x1  }
0x2: {  	s1 =	srdreg.scid  }
0x3: {  	s0 =	sand.u32 $0x1, s1  }
0x4: {  	s16 =	sshll.u32 s0, $0xA;
	s2 =	sadd.s32 s3, s2  }
0x5: {  	s2 =	sadd.s32 s2, s16  }
0x6: {  	[smem:$0x3FC4] =	sst s2  }
0x7: {  	_ = 	snop  }
0x8: {  	s2 =	sld [smem:$0x3FD0];
	_ =	sdelay $0x2  }
0x9: {  	s17 =	simm.s32 $0xB;
	s4 =	simm.s32 $0x10  }
0xa: {  	[smem:s4], [sflag:s17] =	dma.local [hbm:s2], $0x1  }
0xb: {  	_ =	swait.eq [sflag:s17], $0x1  }
0xc: {  	[sflag:s17] =	ssyncset.done $0x0  }
0xd: {  	[sflag:s17] =	ssyncadd.s32 $0xFFFFFFFF  }
0xe: {  	s18 =	sld [smem:$0x11];
	(tm) =	ssettm $0x1  }
0xf: {  	s19 =	sld [smem:$0x3FFB];
	_ =	sdelay $0x3  }
0x10: {  	_ =	strace s19  }
0x11: {  	s2 =	sld [smem:$0x3FFC];
	_ =	sdelay $0x3  }
0x12: {  	_ =	strace s2  }
0x13: {  	s2 =	sld [smem:$0x3FFD];
	_ =	sdelay $0x3  }
0x14: {  	_ =	strace s2  }
0x15: {  	_ =	strace $0x8FFFFFFF  }
0x16: {  	s20 =	sld [smem:$0x3FDB];
	_ =	sdelay $0x1  }
0x17: {  	s21 =	simm.s32 $_scs_section_size  }
0x18: {  	s5 =	simm.s32 $_size__tile_overlayer_lowered;
	s6 =	simm.s32 $_tile_overlayer_lowered  }
0x19: {  	s7 =	simm.s32 $0x1BFF;
	s22 =	sshll.u32 s6, $0x1;
	s4 =	sadd.s32 s21, s20  }
0x1a: {  	s23 =	simm.s32 $0x0;
	s5 =	sshll.u32 s5, $0x1;
	s6 =	sadd.s32 s22, s4  }
0x1b: {  	[timem:s23], [sflag:s7] =	dma.local [hbm:s6], s5  }
0x1c: {  	_ =	swait.ge [sflag:s7], s5  }
0x1d: {  	s5 =	ssub.s32 $0x0, s5;
	[sflag:s7] =	ssyncset.done $0x0  }
0x1e: {  	[sflag:s7] =	ssyncadd.s32 s5;
	_ =	sdelay $0x1  }
0x1f: {  	s24 =	simm.s32 $0x1B8B  }
0x20: {  	_ =	swait.ge [sflag:s24], $0x1  }
0x21: {  	[sflag:s24] =	ssyncset.done $0x0  }
0x22: {  	[sflag:s24] =	ssyncadd.s32 $0xFFFFFFFF  }
0x23: {  	s5 =	sld [smem:$0x0]  }
0x24: {  	s6 =	sand.u32 $0xFFFFFFFE, s1  }
0x25: {  	p0 =	sne.s32 s1, s6  }
0x26: {  	s6 =	sshll.u32 @p0 s6, $0xE  }
0x27: {  	s6 =	sadd.s32 @p0 $0x11B8D, s6;
	s7 =	sshll.u32 @p0 s5, $0x11  }
0x28: {  	s6 =	sor.u32 @p0 s7, s6  }
0x29: {  	[sflag:s6] =	ssyncadd.remote.s32 @p0 $0x1;
	_ =	sdelay $0x1  }
0x2a: {  	s6 =	simm.s32 @p0 $0x1B8D  }
0x2b: {  	_ =	swait.eq @p0 [sflag:s6], $0x1  }
0x2c: {  	[sflag:s6] =	ssyncadd.s32 @p0 $0xFFFFFFFF  }
0x2d: {  	s7 =	sshll.u32 @!p0 s1, $0xE  }
0x2e: {  	s7 =	sor.u32 @!p0 $0x4000, s7;
	s6 =	simm.s32 @!p0 $0x1B8D  }
0x2f: {  	s5 =	sshll.u32 @!p0 s5, $0x11;
	s7 =	sadd.s32 @!p0 $0x11B8D, s7;
	_ =	swait.eq @!p0 [sflag:s6], $0x1  }
0x30: {  	s5 =	sor.u32 @!p0 s5, s7;
	[sflag:s6] =	ssyncadd.s32 @!p0 $0xFFFFFFFF  }
0x31: {  	s26 =	simm.s32 $0x1B8E;
	s25 =	sld [smem:$0x3FFE];
	[sflag:s5] =	ssyncadd.remote.s32 @!p0 $0x1  }
0x32: {  	s27 =	simm.s32 $execute0_lowered;
	[smem:$0x3FD2] =	sst s26  }
0x33: {  	s6 =	sshll.u32 s27, $0x1;
	_ =	strace $0x8000004F;
	[dreg:$0x1] =	wrdreg $0xFFFFFFFF  }
0x34: {  	s28 =	simm.s32 $_size_execute0_lowered;
	s4 =	sadd.s32 s4, s6;
	[dreg:$0x0] =	wrdreg $0x0  }
0x35: {  	s6 =	sshll.u32 s28, $0x1;
	[dreg:$0x2] =	wrdreg s4  }
0x36: {  	[dreg:$0x3] =	wrdreg s6  }
0x37: {  	[dreg:$0x4] =	wrdreg $0xC0  }
0x38: {  	_ =	task [dreg:s23], $0x5FFFF  }
0x39: {  	[dreg:$0x1] =	wrdreg $0xFFFFFFFF  }
0x3a: {  	[dreg:$0x0] =	wrdreg $0x60  }
0x3b: {  	[dreg:$0x2] =	wrdreg s25  }
0x3c: {  	[dreg:$0x3] =	wrdreg s18  }
0x3d: {  	[dreg:$0x4] =	wrdreg $0xA  }
0x3e: {  	_ =	task.clear_ibuf [dreg:s23], $0x5FFFF;
	_ =	strace $0x9000004F  }
0x3f: {  	s29 =	simm.s32 $0xA;
	_ =	strace $0x80000051  }
0x40: {  	_ =	swait.ge [sflag:s29], $0x1  }
0x41: {  	[sflag:s29] =	ssyncadd.s32 $0xFFFFFFFF  }
0x42: {  	_ =	strace $0x90000051  }
0x43: {  	_ =	sfence  }
0x44: {  	s30 =	sld [smem:$0x0];
	_ =	sdelay $0x2  }
0x45: {  	s31 =	sshll.u32 s1, $0xD;
	s1 =	sshrl.u32 s1, $0x2  }
0x46: {  	s4 =	sand.u32 $0x4000, s31;
	s1 =	sadd.s32 s1, s30  }
0x47: {  	s0 =	sor.u32 s4, s0;
	s1 =	sshll.u32 s1, $0x11  }
0x48: {  	s0 =	sor.u32 s1, s0  }
0x49: {  	s0 =	sadd.s32 $0x8F2B, s0  }
0x4a: {  	[sflag:s0] =	ssyncadd.remote.s32 $0x1  }
0x4b: {  	_ =	sfence.sel $0xFFFF  }
0x4c: {  	[dreg:$0x0] =	wrdreg $0xFFFFFFFF;
	(pc) =	sbr.abs _section_cstart, $3  }
0x4d: {  	[dreg:$0x1] =	wrdreg $0xFFFFFFFF  }
0x4e: {  	_ =	task.clear_ibuf [dreg:s23], $0x2FFFF;
	_ =	strace $0x9FFFFFFF  }
0x4f: {  	(tm) =	ssettm $0x7FFFFFFF  }
tec
execute0_lowered:
.L_overlay_start_1:
0x0: {  	(tag) =	ssettag $0x1  }
0x1: {  	s0 =	srdreg.scid  }
0x2: {  	s1 =	sshll.u32 s0, $0x4  }
0x3: {  	s0 =	stileid.u32;
	s1 =	sand.u32 $0x10, s1  }
0x4: {  	s1 =	sor.u32 s0, s1  }
0x5: {  	s6 =	rddreg [dreg:$0x0];
	s4 =	simm.s32 $0x1;
	s2 =	sshll.u32 s1, $0x7  }
0x6: {  	s7 =	simm.s32 $0x2;
	s12 =	simm.s32 $0x0;
	s1 =	ssub.s32 $0x1000, s2  }
0x7: {  	s8 =	simm.s32 $0x8000;
	s13 =	simm.s32 $0x0;
	s3 =	sand.u32 $0xF80, s1  }
0x8: {  	s9 =	simm.s32 $0x0;
	s5 =	sshrl.u32 s1, $0xC;
	p0 =	sne.s32 s3, $0x0  }
.Ltmp0:
0x9: {  	s1 =	rddreg [dreg:$0x2];
	s4 =	simm.s32 @!p0 $0x0;
	(pc) =	sbr.rel .LBB1_1-.Ltmp0, $4  }
0xa: {  	s11 =	simm.s32 $0x0;
	s3 =	rddreg [dreg:$0x1];
	s5 =	sadd.s32 s4, s5  }
0xb: {  	_ =	strace $0x80000050;
	s4 =	simm.s32 $0x1;
	s5 =	smul.u32 $0x32, s5  }
0xc: {  	s6 =	sadd.s32 $0x451400, s6;
	s10 =	smov.u32 s2;
	[sflag:s4] =	ssyncpa.u1 $0x0  }
0xd: {  	p0 =	por $0x0, $0x0;
	[sflag:s7] =	ssyncpa.u1 $0x0;
	s7 =	sor.u32 $0x1, s5  }
.LBB1_4:
0xe: {  	s16 =	sshll.u32 s13, $0x3;
	s17 =	sand.u32 $0x78, s13  }
0xf: {  	s30 =	sand.u32 $0x7E00, s13;
	s12 =	sshll.u32 s12, $0xF;
	s16 =	sand.u32 $0xC00, s16  }
0x10: {  	[tilespmem:s15+$0x810 ss:$0x81] =	vst.msk $0xffff, v2;
	s31 =	sand.u32 $0x7, s13;
	s16 =	sor.u32 s17, s16;
	s17 =	sadd.s32 s3, s30  }
0x11: {  	[tilespmem:s15+$0x1020 ss:$0x81] =	vst.msk $0xffff, v0;
	s13 =	sshll.u32 s31, $0x12;
	s12 =	sadd.s32 s12, s17;
	s16 =	sshrl.u32 s16, $0x3  }
0x12: {  	[tilespmem:s15+$0x0 ss:$0x81] =	vst.msk $0xffff, v1;
	s13 =	sor.u32 $0x400, s13;
	s12 =	sadd.s32 s16, s12  }
0x13: {  	[hbm4b:s12+s13] =	stream.strided.scatter [tilespmem:s14], [sflag:$0x2], $0x2000, s8, s13, $0x20;
	[tilespmem:$0x8080] =	vst v63  }
.LBB1_5:
0x14: {  	s14 =	sadd.s32 $0x1, s9  }
0x15: {  	s12 =	sadd.s32 $0x1000, s10;
	s16 =	smov.u32 s10;
	p2 =	sgt.s32 s14, $0x31  }
0x16: {  	s16 =	smov.u32 @p2 s12  }
0x17: {  	s14 =	simm.s32 @p2 $0x0;
	p2 =	sgt.s32 s16, $0xFFF  }
0x18: {  	s16 =	smov.u32 @p2 s2;
	p2 =	sne.s32 s11, s7  }
.Ltmp1:
0x19: {  	p1 =	slt.u32 s11, $0x2;
	(pc) =	sbr.rel @!p2 .LBB1_6-.Ltmp1, $4  }
0x1a: {  	s15 =	simm.s32 @!p1 $0x2  }
0x1b: {  	s13 =	smov.u32 s10;
	p0 =	por !p0, !p0;
	_ =	swait.ge @!p1 [sflag:s15], $0x2000  }
0x1c: {  	s12 =	smov.u32 s9;
	[sflag:s15] =	ssyncset.done @!p1 $0x0;
	s9 =	smov.u32 s14  }
0x1d: {  	s11 =	sadd.s32 $0x1, s11;
	[sflag:s15] =	ssyncadd.s32 @!p1 $0xFFFFE000;
	s10 =	smov.u32 s16  }
.LBB1_1:
0x1e: {  	p1 =	sge.u32 s11, s5  }
0x1f: {  	s14 =	sand.u32 @!p1 $0x1FFFFFF, s9  }
0x20: {  	s15 =	smulhi.u32 @!p1 $0x4924925, s14;
	_ =	sdelay $0x1  }
0x21: {  	s15 =	smul.u32 @!p1 $0x38, s15  }
0x22: {  	s16 =	sxor.u32 @!p1 $0xFFFFFFFF, s11;
	s17 =	smul.u32 @!p1 $0x380, s10  }
0x23: {  	s31 =	sadd.s32 $0xFFFFFFFF, s11;
	s16 =	sshll.u32 @!p1 s16, $0xD;
	s14 =	ssub.s32 @!p1 s14, s15  }
0x24: {  	s15 =	sand.u32 @!p1 $0x2000, s16;
	s16 =	sadd.s32 @!p1 s6, s17;
	s14 =	sshll.u32 @!p1 s14, $0x4  }
0x25: {  	s17 =	simm.s32 @!p1 $0x1C00;
	s14 =	sadd.s32 @!p1 s14, s16;
	s16 =	simm.s32 @!p1 $0x40  }
0x26: {  	[tilespmem:s15], [sflag:$0x1] =	stream.strided.gather @!p1 [hbm4b:s14+s16], $0x2000, s17, s16, $0x38;
	[tilespmem:$0x8080] =	vst v63  }
0x27: {  	p1 =	sge.u32 s31, s5  }
.Ltmp2:
0x28: {  	_ = 	snop;
	(pc) =	sbr.rel @p1 .LBB1_5-.Ltmp2, $1  }
0x29: {  	_ =	sdelay $0x3  }
0x2a: {  	s14 =	simm.s32 $0x1  }
0x2b: {  	_ =	swait.ge [sflag:s4], $0x2000;
	s14 =	simm.s32 @!p0 $0x0  }
0x2c: {  	[sflag:s4] =	ssyncset.done $0x0;
	s15 =	sshll.u32 s14, $0xD  }
0x2d: {  	[sflag:s4] =	ssyncadd.s32 $0xFFFFE000;
	s18 =	sor.u32 $0x20, s15  }
0x2e: {  	s14 =	smul.u32 $0x8100, s14;
	v3 =	vld [tilespmem:s18+$0x10]  }
0x2f: {  	s30 =	sand.u32 $0x1, s11;
	v2 =	vld [tilespmem:s18+$0xFFFFFFF0]  }
0x30: {  	s15 =	smul.u32 $0x8100, s30;
	s14 =	sshrl.u32 s14, $0x2;
	v0 =	vld [tilespmem:s18+$0x0]  }
0x31: {  	v1 =	vld [tilespmem:s18+$0xFFFFFFE0];
	s16 =	sor.u32 $0x4000, s14  }
0x32: {  	s31 =	sshrl.u32 s15, $0x2;
	s15 =	sadd.s32 $0x0, s16  }
0x33: {  	s17 =	simm.s32 $0x4;
	s18 =	sadd.s32 $0x40, s18;
	s14 =	sor.u32 $0x4000, s31;
	[tilespmem:s15+$0x1830 ss:$0x81] =	vst.msk $0xffff, v3  }
.LBB1_3:
0x34: {  	v3 =	vld [tilespmem:s18+$0x10];
	p1 =	sne.s32 s17, $0x1FC;
	[tilespmem:s15+$0x810 ss:$0x81] =	vst.msk $0xffff, v2;
	s19 =	smov.u32 s17;
	s17 =	sadd.s32 $0x4, s17  }
.Ltmp3:
0x35: {  	v2 =	vld [tilespmem:s18+$0xFFFFFFF0];
	[tilespmem:s15+$0x1020 ss:$0x81] =	vst.msk $0xffff, v0;
	(pc) =	sbr.rel @p1 .LBB1_3-.Ltmp3, $4  }
0x36: {  	v0 =	vld [tilespmem:s18+$0x0];
	[tilespmem:s15+$0x0 ss:$0x81] =	vst.msk $0xffff, v1  }
0x37: {  	s15 =	sshra.s32 s19, $0x2;
	v1 =	vld [tilespmem:s18+$0xFFFFFFE0]  }
0x38: {  	s15 =	sadd.s32 s15, s16  }
0x39: {  	s18 =	sadd.s32 $0x40, s18;
	[tilespmem:s15+$0x1830 ss:$0x81] =	vst.msk $0xffff, v3  }
.Ltmp4:
0x3a: {  	_ = 	snop;
	(pc) =	sbr.rel .LBB1_4-.Ltmp4, $1  }
0x3b: {  	_ =	sdelay $0x3  }
.LBB1_6:
0x3c: {  	_ =	sfence.sel $0x180000  }
0x3d: {  	s2 =	simm.s32 $0x1;
	[bflag:$0x0] =	sbarrier.arrive $0xFFFF  }
0x3e: {  	s31 =	simm.s32 $0x2;
	[sflag:s2] =	ssyncpa.u1 $0x1  }
0x3f: {  	[sflag:s31] =	ssyncpa.u1 $0x1  }
0x40: {  	p0 =	sne.s32 s0, $0x0;
	_ =	strace $0x90000050  }
0x41: {  	s0 =	sadd.s32 @!p0 $0x100000, s1;
	[bflag:$0x2] =	sbarrier.arrive $0xFFFF  }
0x42: {  	[sflag:s0] =	ssyncadd.tile.s32 @!p0 $0x1;
	_ =	shalt  }
.Lfunc_end1:
_tile_overlayer_lowered:
.L_overlay_start_2:
0x43: {  	(tag) =	ssettag $0x2  }
0x44: {  	s0 =	rddreg [dreg:$0x0];
	s2 =	stileid.u32  }
0x45: {  	s1 =	rddreg [dreg:$0x1];
	p0 =	sne.s32 s2, $0x0  }
0x46: {  	s3 =	rddreg [dreg:$0x2];
	[bflag:$0x3] =	sbarrier.arrive $0xFFFF;
	s2 =	simm.s32 @!p0 $0x1C01  }
0x47: {  	[timem:s3], [sflag:s2] =	dma.local @!p0 [hbm:s0], s1  }
0x48: {  	s0 =	simm.s32 @!p0 $0x1  }
0x49: {  	_ =	swait.ge @!p0 [sflag:s0], s1  }
0x4a: {  	s1 =	ssub.s32 @!p0 $0x0, s1;
	[sflag:s0] =	ssyncset.done @!p0 $0x0  }
0x4b: {  	[sflag:s0] =	ssyncadd.s32 @!p0 s1  }
0x4c: {  	[bflag:$0x3] =	sbarrier.arrive $0xFFFF  }
0x4d: {  	_ =	shalt  }

</sc_bundles>
